<compile_context>
chip_gen: v7x
topology: tpu7x:2x2x1
jax: 0.10.2.dev20260603
libtpu: 0.0.44.dev20260713+nightly
codegen_flags: <defaults>
</compile_context>

<pallas_src>
import functools

import jax
import jax.numpy as jnp
from jax import lax
from jax.experimental import pallas as pl
from jax.experimental.pallas import tpu as pltpu
from jax.experimental.pallas import tpu_sc as plsc

_N = 10000
_E = 320000
_D = 128
_H = 128
_G = 128
_NL = 3

_NSC = 2
_NTILES = 32
_EPT = _E // _NTILES
_C = 80
_NCHUNK = _EPT // _C
_RPT = 624
_TAIL = _N - 16 * _RPT



def _sc_scatter_body(src_hbm, dst_hbm, h_hbm, zero_hbm, out_hbm,
                     sidx, didx, rows, agg_sh, sem):
    c = lax.axis_index("c")
    s = lax.axis_index("s")
    pltpu.sync_copy(zero_hbm.at[pl.ds(s * _RPT, _RPT)],
                    agg_sh.at[pl.ds(s * _RPT, _RPT)])

    @pl.when(s == 15)
    def _():
        pltpu.sync_copy(zero_hbm.at[pl.ds(16 * _RPT, _TAIL)],
                        agg_sh.at[pl.ds(16 * _RPT, _TAIL)])

    plsc.subcore_barrier()

    base = (c * 16 + s) * _EPT

    def body(i, carry):
        off = base + i * _C
        pltpu.sync_copy(src_hbm.at[pl.ds(off, _C)], sidx)
        pltpu.sync_copy(dst_hbm.at[pl.ds(off, _C)], didx)
        pltpu.async_copy(h_hbm.at[sidx], rows, sem).wait()
        pltpu.sync_copy(rows, agg_sh.at[didx], add=True)
        return carry

    lax.fori_loop(0, _NCHUNK, body, 0)
    plsc.subcore_barrier()
    pltpu.sync_copy(agg_sh.at[pl.ds(s * _RPT, _RPT)],
                    out_hbm.at[c, pl.ds(s * _RPT, _RPT)])

    @pl.when(s == 15)
    def _():
        pltpu.sync_copy(agg_sh.at[pl.ds(16 * _RPT, _TAIL)],
                        out_hbm.at[c, pl.ds(16 * _RPT, _TAIL)])


_sc_scatter = pl.kernel(
    _sc_scatter_body,
    out_type=jax.ShapeDtypeStruct((_NSC, _N, _D), jnp.float32),
    mesh=plsc.VectorSubcoreMesh(core_axis_name="c", subcore_axis_name="s"),
    scratch_types=[
        pltpu.VMEM((_C,), jnp.int32),
        pltpu.VMEM((_C,), jnp.int32),
        pltpu.VMEM((_C, _D), jnp.float32),
        pltpu.VMEM_SHARED((_N, _D), jnp.float32),
        pltpu.SemaphoreType.DMA,
    ],
)



def _matT(a, w):
    return lax.dot_general(a, w, (((1,), (1,)), ((), ())),
                           preferred_element_type=jnp.float32)


def _bn_cols(t, g, b):
    m = jnp.mean(t, axis=0, keepdims=True)
    v = jnp.mean(t * t, axis=0, keepdims=True) - m * m
    return g * (t - m) * lax.rsqrt(v + 1e-5) + b


def _lin_body(x_ref, w_ref, b_ref, o_ref):
    o_ref[...] = jnp.maximum(_matT(x_ref[...], w_ref[...]) + b_ref[...], 0.0)


_lin = pl.pallas_call(
    _lin_body, out_shape=jax.ShapeDtypeStruct((_N, _H), jnp.float32))


def _gin_body(h_ref, p0_ref, p1_ref, w1_ref, b1_ref, g1_ref, be1_ref,
              w2_ref, b2_ref, g2_ref, be2_ref, lng_ref, lnb_ref, o_ref):
    z = h_ref[...] + p0_ref[...] + p1_ref[...]
    t = _matT(z, w1_ref[...]) + b1_ref[...]
    t = jnp.maximum(_bn_cols(t, g1_ref[...], be1_ref[...]), 0.0)
    t = _matT(t, w2_ref[...]) + b2_ref[...]
    t = jnp.maximum(_bn_cols(t, g2_ref[...], be2_ref[...]), 0.0)
    m = jnp.mean(t, axis=1, keepdims=True)
    v = jnp.mean(t * t, axis=1, keepdims=True) - m * m
    o_ref[...] = lng_ref[...] * (t - m) * lax.rsqrt(v + 1e-5) + lnb_ref[...]


_gin = pl.pallas_call(
    _gin_body, out_shape=jax.ShapeDtypeStruct((_N, _H), jnp.float32))


def _segmax_body(b_ref, h_ref, o_ref):
    g = pl.program_id(0)
    bm = b_ref[...]
    start = jnp.sum(jnp.where(bm < g, 1, 0))
    end = start + jnp.sum(jnp.where(bm == g, 1, 0))
    k0 = start // 8
    k1 = (end + 7) // 8

    def body(k, acc):
        rows = h_ref[pl.ds(k * 8, 8), :]
        rid = k * 8 + lax.broadcasted_iota(jnp.int32, (8, _D), 0)
        valid = (rid >= start) & (rid < end)
        return jnp.maximum(acc, jnp.where(valid, rows, -jnp.inf))

    acc = lax.fori_loop(k0, k1, body,
                        jnp.full((8, _D), -jnp.inf, jnp.float32))
    o_ref[...] = jnp.max(acc, axis=0, keepdims=True)[None]


_segmax = pl.pallas_call(
    _segmax_body,
    grid=(_G,),
    in_specs=[pl.BlockSpec((80, 128), lambda g: (0, 0)),
              pl.BlockSpec((_N, _D), lambda g: (0, 0))],
    out_specs=pl.BlockSpec((1, 1, _D), lambda g: (g, 0, 0)),
    out_shape=jax.ShapeDtypeStruct((_G, 1, _D), jnp.float32),
)


def _head_body(p_ref, w1_ref, b1_ref, g1_ref, be1_ref,
               w2_ref, b2_ref, g2_ref, be2_ref, w3_ref, b3_ref, o_ref):
    t = jnp.maximum(_matT(p_ref[...], w1_ref[...]) + b1_ref[...], 0.0)
    t = _bn_cols(t, g1_ref[...], be1_ref[...])
    t = jnp.maximum(_matT(t, w2_ref[...]) + b2_ref[...], 0.0)
    t = _bn_cols(t, g2_ref[...], be2_ref[...])
    t = jnp.sum(t * w3_ref[...], axis=1, keepdims=True) + b3_ref[0, 0]
    o_ref[...] = jax.nn.sigmoid(t)


_head = pl.pallas_call(
    _head_body, out_shape=jax.ShapeDtypeStruct((_G, 1), jnp.float32))



def kernel(x, params, edge_index, batch):
    ei = edge_index.astype(jnp.int32)
    src = ei[0]
    dst = ei[1]
    bpad = jnp.concatenate(
        [batch.astype(jnp.int32),
         jnp.full((80 * 128 - _N,), _G, jnp.int32)]).reshape(80, 128)
    zero = jnp.zeros((_N, _D), jnp.float32)

    def row(v):
        return v.reshape(1, -1)

    h = _lin(x, params['lin_W'], row(params['lin_b']))
    for i in range(_NL):
        parts = _sc_scatter(src, dst, h, zero)
        h = _gin(h, parts[0], parts[1],
                 params[f'l{i}_W1'], row(params[f'l{i}_b1']),
                 row(params[f'l{i}_g1']), row(params[f'l{i}_be1']),
                 params[f'l{i}_W2'], row(params[f'l{i}_b2']),
                 row(params[f'l{i}_g2']), row(params[f'l{i}_be2']),
                 row(params[f'l{i}_lng']), row(params[f'l{i}_lnb']))
    p = _segmax(bpad, h).reshape(_G, _D)
    y = _head(p, params['fc1_W'], row(params['fc1_b']),
              row(params['bn1_g']), row(params['bn1_b']),
              params['fc2_W'], row(params['fc2_b']),
              row(params['bn2_g']), row(params['bn2_b']),
              params['fc3_W'], row(params['fc3_b']))
    return y

# --- scband reference (transcript-rebuilt; emitter-appended) ---
"""Pipeline reference for scband-ginclassifier-30777735643933 (READ-ONLY COPY).

The authoritative reference and input builder live on the scoring server;
editing this copy changes nothing except your own understanding.
"""

import jax, jax.numpy as jnp
import numpy as np

N = 10000
E = 320000
D = 128
H = 128
L = 3
G = 128


def _bn(z, g, b):
    m = jnp.mean(z, axis=0)
    v = jnp.var(z, axis=0)
    return g * (z - m) / jnp.sqrt(v + 1e-5) + b


def _ln(z, g, b):
    m = jnp.mean(z, axis=-1, keepdims=True)
    v = jnp.var(z, axis=-1, keepdims=True)
    return g * (z - m) / jnp.sqrt(v + 1e-5) + b


def setup_inputs(seed: int = 0) -> dict:
    key = jax.random.key(seed)
    ks = jax.random.split(key, 64)
    x = jax.random.normal(ks[0], (N, D), dtype=jnp.float32)
    edge_index = jax.random.randint(ks[1], (2, E), 0, N, dtype=jnp.int64)
    batch = jnp.sort(jax.random.randint(ks[2], (N,), 0, G, dtype=jnp.int64))
    params = {}
    params['lin_W'] = jax.random.normal(ks[3], (H, D), dtype=jnp.float32) * 0.05
    params['lin_b'] = jnp.zeros((H,), dtype=jnp.float32)
    ki = 4
    for i in range(L):
        params[f'l{i}_W1'] = jax.random.normal(ks[ki], (H, H), dtype=jnp.float32) * 0.05; ki += 1
        params[f'l{i}_b1'] = jnp.zeros((H,), dtype=jnp.float32)
        params[f'l{i}_g1'] = jnp.ones((H,), dtype=jnp.float32)
        params[f'l{i}_be1'] = jnp.zeros((H,), dtype=jnp.float32)
        params[f'l{i}_W2'] = jax.random.normal(ks[ki], (H, H), dtype=jnp.float32) * 0.05; ki += 1
        params[f'l{i}_b2'] = jnp.zeros((H,), dtype=jnp.float32)
        params[f'l{i}_g2'] = jnp.ones((H,), dtype=jnp.float32)
        params[f'l{i}_be2'] = jnp.zeros((H,), dtype=jnp.float32)
        params[f'l{i}_lng'] = jnp.ones((H,), dtype=jnp.float32)
        params[f'l{i}_lnb'] = jnp.zeros((H,), dtype=jnp.float32)
    params['fc1_W'] = jax.random.normal(ks[ki], (64, H), dtype=jnp.float32) * 0.05; ki += 1
    params['fc1_b'] = jnp.zeros((64,), dtype=jnp.float32)
    params['bn1_g'] = jnp.ones((64,), dtype=jnp.float32)
    params['bn1_b'] = jnp.zeros((64,), dtype=jnp.float32)
    params['fc2_W'] = jax.random.normal(ks[ki], (32, 64), dtype=jnp.float32) * 0.05; ki += 1
    params['fc2_b'] = jnp.zeros((32,), dtype=jnp.float32)
    params['bn2_g'] = jnp.ones((32,), dtype=jnp.float32)
    params['bn2_b'] = jnp.zeros((32,), dtype=jnp.float32)
    params['fc3_W'] = jax.random.normal(ks[ki], (1, 32), dtype=jnp.float32) * 0.05; ki += 1
    params['fc3_b'] = jnp.zeros((1,), dtype=jnp.float32)
    return {'x': x, 'params': params, 'edge_index': edge_index, 'batch': batch}


def reference(x, params, edge_index, batch):
    h = jax.nn.relu(x @ params['lin_W'].T + params['lin_b'])
    src = edge_index[0]
    dst = edge_index[1]
    for i in range(L):
        # GINConv: (1 + eps) * x + sum of neighbor messages (eps = 0)
        agg = jnp.zeros_like(h).at[dst].add(h[src])
        z = h + agg
        z = jax.nn.relu(_bn(z @ params[f'l{i}_W1'].T + params[f'l{i}_b1'], params[f'l{i}_g1'], params[f'l{i}_be1']))
        z = jax.nn.relu(_bn(z @ params[f'l{i}_W2'].T + params[f'l{i}_b2'], params[f'l{i}_g2'], params[f'l{i}_be2']))
        h = jax.nn.relu(z)
        h = _ln(h, params[f'l{i}_lng'], params[f'l{i}_lnb'])
    p = jax.ops.segment_max(h, batch, num_segments=G)
    y = jax.nn.relu(p @ params['fc1_W'].T + params['fc1_b'])
    y = _bn(y, params['bn1_g'], params['bn1_b'])
    y = jax.nn.relu(y @ params['fc2_W'].T + params['fc2_b'])
    y = _bn(y, params['bn2_g'], params['bn2_b'])
    y = jax.nn.sigmoid(y @ params['fc3_W'].T + params['fc3_b'])
    return y

if __name__ == "__main__":
    import jax
    _d = setup_inputs()
    print(jax.jit(kernel)(*tuple(_d.values())))

</pallas_src>

<mosaic_0001>
#map = affine_map<(d0, d1) -> (0)>
#map1 = affine_map<(d0, d1) -> (0, 0)>
#map2 = affine_map<(d0, d1) -> (0, 0, 0)>
module attributes {stable_mosaic.version = 14 : i64} {
  func.func @_sc_scatter_body(%arg0: i32, %arg1: i32, %arg2: memref<320000xi32, #tpu.memory_space<hbm>>, %arg3: memref<320000xi32, #tpu.memory_space<hbm>>, %arg4: memref<10000x128xf32, #tpu.memory_space<hbm>>, %arg5: memref<10000x128xf32, #tpu.memory_space<hbm>>, %arg6: memref<2x10000x128xf32, #tpu.memory_space<hbm>>, %arg7: memref<80xi32, #tpu.memory_space<vmem>>, %arg8: memref<80xi32, #tpu.memory_space<vmem>>, %arg9: memref<80x128xf32, #tpu.memory_space<vmem>>, %arg10: memref<10000x128xf32, #tpu.memory_space<vmem_shared>>, %arg11: memref<!tpu.dma_semaphore, #tpu.memory_space<semaphore_mem>>) attributes {dimension_semantics = [#tpu.dimension_semantics<core_parallel>, #tpu.dimension_semantics<subcore_parallel>], iteration_bounds = array<i64: 2, 16>, scalar_prefetch = 0 : i64, scratch_operands = 5 : i64, tpu.core_type = #tpu.core_type<sc_vector_subcore>, window_params = [{transform_indices = #map}, {transform_indices = #map}, {transform_indices = #map1}, {transform_indices = #map1}, {transform_indices = #map2}]} {
    %mul3A = arith.constant 624 : i32
    %mul3A_0 = arith.muli %arg1, %mul3A : i32
    %mul3A_1 = arith.constant 624 : i32
    %mul3A_2 = arith.muli %arg1, %mul3A_1 : i32
    "tpu.region"() ({
      %run_scoped3A = tpu.sem_alloc : memref<!tpu.dma_semaphore, #tpu.memory_space<semaphore_mem>>
      %dma_start3A = arith.constant 0 : i32
      %dma_start3A_24 = tpu.memref_slice %arg10[%mul3A_2, %dma_start3A] : memref<10000x128xf32, #tpu.memory_space<vmem_shared>> -> memref<624x128xf32, #tpu.memory_space<vmem_shared>>
      %dma_start3A_25 = arith.constant 0 : i32
      %dma_start3A_26 = tpu.memref_slice %arg5[%mul3A_0, %dma_start3A_25] : memref<10000x128xf32, #tpu.memory_space<hbm>> -> memref<624x128xf32, #tpu.memory_space<hbm>>
      tpu.enqueue_dma source(%dma_start3A_26 : memref<624x128xf32, #tpu.memory_space<hbm>>) target(%dma_start3A_24 : memref<624x128xf32, #tpu.memory_space<vmem_shared>>) target_semaphore(%run_scoped3A : memref<!tpu.dma_semaphore, #tpu.memory_space<semaphore_mem>>)
      %dma_wait3A = arith.constant 0 : i32
      %dma_wait3A_27 = tpu.memref_slice %arg10[%mul3A_2, %dma_wait3A] : memref<10000x128xf32, #tpu.memory_space<vmem_shared>> -> memref<624x128xf32, #tpu.memory_space<vmem_shared>>
      %dma_wait3A_28 = arith.constant 0 : i32
      %dma_wait3A_29 = tpu.memref_slice %arg5[%mul3A_0, %dma_wait3A_28] : memref<10000x128xf32, #tpu.memory_space<hbm>> -> memref<624x128xf32, #tpu.memory_space<hbm>>
      tpu.wait_dma2 semaphore(%run_scoped3A : memref<!tpu.dma_semaphore, #tpu.memory_space<semaphore_mem>>) src(%dma_wait3A_29 : memref<624x128xf32, #tpu.memory_space<hbm>>) dst(%dma_wait3A_27 : memref<624x128xf32, #tpu.memory_space<vmem_shared>>)
      tpu.yield
    }) : () -> ()
    %eq3A = arith.constant 15 : i32
    %eq3A_3 = arith.cmpi eq, %arg1, %eq3A : i32
    %convert_element_type3A = arith.extui %eq3A_3 : i1 to i32
    %cond3A = arith.constant 0 : i32
    %cond3A_4 = arith.cmpi ne, %convert_element_type3A, %cond3A : i32
    scf.if %cond3A_4 {
      "tpu.region"() ({
        %run_scoped3A = tpu.sem_alloc : memref<!tpu.dma_semaphore, #tpu.memory_space<semaphore_mem>>
        %dma_start3A = arith.constant 9984 : i32
        %dma_start3A_24 = arith.constant 0 : i32
        %dma_start3A_25 = tpu.memref_slice %arg10[%dma_start3A, %dma_start3A_24] : memref<10000x128xf32, #tpu.memory_space<vmem_shared>> -> memref<16x128xf32, #tpu.memory_space<vmem_shared>>
        %dma_start3A_26 = arith.constant 9984 : i32
        %dma_start3A_27 = arith.constant 0 : i32
        %dma_start3A_28 = tpu.memref_slice %arg5[%dma_start3A_26, %dma_start3A_27] : memref<10000x128xf32, #tpu.memory_space<hbm>> -> memref<16x128xf32, #tpu.memory_space<hbm>>
        tpu.enqueue_dma source(%dma_start3A_28 : memref<16x128xf32, #tpu.memory_space<hbm>>) target(%dma_start3A_25 : memref<16x128xf32, #tpu.memory_space<vmem_shared>>) target_semaphore(%run_scoped3A : memref<!tpu.dma_semaphore, #tpu.memory_space<semaphore_mem>>)
        %dma_wait3A = arith.constant 9984 : i32
        %dma_wait3A_29 = arith.constant 0 : i32
        %dma_wait3A_30 = tpu.memref_slice %arg10[%dma_wait3A, %dma_wait3A_29] : memref<10000x128xf32, #tpu.memory_space<vmem_shared>> -> memref<16x128xf32, #tpu.memory_space<vmem_shared>>
        %dma_wait3A_31 = arith.constant 9984 : i32
        %dma_wait3A_32 = arith.constant 0 : i32
        %dma_wait3A_33 = tpu.memref_slice %arg5[%dma_wait3A_31, %dma_wait3A_32] : memref<10000x128xf32, #tpu.memory_space<hbm>> -> memref<16x128xf32, #tpu.memory_space<hbm>>
        tpu.wait_dma2 semaphore(%run_scoped3A : memref<!tpu.dma_semaphore, #tpu.memory_space<semaphore_mem>>) src(%dma_wait3A_33 : memref<16x128xf32, #tpu.memory_space<hbm>>) dst(%dma_wait3A_30 : memref<16x128xf32, #tpu.memory_space<vmem_shared>>)
        tpu.yield
      }) : () -> ()
    } else {
    }
    %barrier3A = arith.constant 0 : index
    tpu.barrier barrier_id(%barrier3A)
    %mul3A_5 = arith.constant 16 : i32
    %mul3A_6 = arith.muli %arg0, %mul3A_5 : i32
    %add3A = arith.addi %mul3A_6, %arg1 : i32
    %mul3A_7 = arith.constant 10000 : i32
    %mul3A_8 = arith.muli %add3A, %mul3A_7 : i32
    %scan3A = arith.constant 0 : i32
    %scan3A_9 = arith.constant 0 : i32
    %scan3A_10 = arith.constant 125 : i32
    %scan3A_11 = arith.addi %scan3A_9, %scan3A_10 : i32
    %scan3A_12 = arith.constant 1 : i32
    scf.for %scan3A_24 = %scan3A_9 to %scan3A_11 step %scan3A_12  : i32 {
      %mul3A_25 = arith.constant 80 : i32
      %mul3A_26 = arith.muli %scan3A_24, %mul3A_25 : i32
      %add3A_27 = arith.addi %mul3A_8, %mul3A_26 : i32
      "tpu.region"() ({
        %run_scoped3A = tpu.sem_alloc : memref<!tpu.dma_semaphore, #tpu.memory_space<semaphore_mem>>
        %dma_start3A_32 = tpu.memref_slice %arg2[%add3A_27] : memref<320000xi32, #tpu.memory_space<hbm>> -> memref<80xi32, #tpu.memory_space<hbm>>
        %dma_start3A_33 = tpu.memref_slice %arg2[%add3A_27] : memref<320000xi32, #tpu.memory_space<hbm>> -> memref<80xi32, #tpu.memory_space<hbm>>
        tpu.enqueue_dma source(%dma_start3A_33 : memref<80xi32, #tpu.memory_space<hbm>>) target(%arg7 : memref<80xi32, #tpu.memory_space<vmem>>) target_semaphore(%run_scoped3A : memref<!tpu.dma_semaphore, #tpu.memory_space<semaphore_mem>>)
        %dma_wait3A_34 = tpu.memref_slice %arg2[%add3A_27] : memref<320000xi32, #tpu.memory_space<hbm>> -> memref<80xi32, #tpu.memory_space<hbm>>
        %dma_wait3A_35 = tpu.memref_slice %arg2[%add3A_27] : memref<320000xi32, #tpu.memory_space<hbm>> -> memref<80xi32, #tpu.memory_space<hbm>>
        tpu.wait_dma2 semaphore(%run_scoped3A : memref<!tpu.dma_semaphore, #tpu.memory_space<semaphore_mem>>) src(%dma_wait3A_35 : memref<80xi32, #tpu.memory_space<hbm>>) dst(%arg7 : memref<80xi32, #tpu.memory_space<vmem>>)
        tpu.yield
      }) : () -> ()
      "tpu.region"() ({
        %run_scoped3A = tpu.sem_alloc : memref<!tpu.dma_semaphore, #tpu.memory_space<semaphore_mem>>
        %dma_start3A_32 = tpu.memref_slice %arg3[%add3A_27] : memref<320000xi32, #tpu.memory_space<hbm>> -> memref<80xi32, #tpu.memory_space<hbm>>
        %dma_start3A_33 = tpu.memref_slice %arg3[%add3A_27] : memref<320000xi32, #tpu.memory_space<hbm>> -> memref<80xi32, #tpu.memory_space<hbm>>
        tpu.enqueue_dma source(%dma_start3A_33 : memref<80xi32, #tpu.memory_space<hbm>>) target(%arg8 : memref<80xi32, #tpu.memory_space<vmem>>) target_semaphore(%run_scoped3A : memref<!tpu.dma_semaphore, #tpu.memory_space<semaphore_mem>>)
        %dma_wait3A_34 = tpu.memref_slice %arg3[%add3A_27] : memref<320000xi32, #tpu.memory_space<hbm>> -> memref<80xi32, #tpu.memory_space<hbm>>
        %dma_wait3A_35 = tpu.memref_slice %arg3[%add3A_27] : memref<320000xi32, #tpu.memory_space<hbm>> -> memref<80xi32, #tpu.memory_space<hbm>>
        tpu.wait_dma2 semaphore(%run_scoped3A : memref<!tpu.dma_semaphore, #tpu.memory_space<semaphore_mem>>) src(%dma_wait3A_35 : memref<80xi32, #tpu.memory_space<hbm>>) dst(%arg8 : memref<80xi32, #tpu.memory_space<vmem>>)
        tpu.yield
      }) : () -> ()
      %dma_start3A = arith.constant 0 : i32
      %dma_start3A_28 = arith.constant 0 : i32
      %dma_start3A_29 = tpu.memref_slice %arg4[%dma_start3A, %dma_start3A_28] : memref<10000x128xf32, #tpu.memory_space<hbm>> -> memref<10000x128xf32, #tpu.memory_space<hbm>>
      tpu.enqueue_indirect_dma source(%dma_start3A_29 : memref<10000x128xf32, #tpu.memory_space<hbm>>) target(%arg9 : memref<80x128xf32, #tpu.memory_space<vmem>>) offsets(%arg7 : memref<80xi32, #tpu.memory_space<vmem>>) semaphore(%arg11 : memref<!tpu.dma_semaphore, #tpu.memory_space<semaphore_mem>>)
      %dma_wait3A = arith.constant 0 : i32
      %dma_wait3A_30 = arith.constant 0 : i32
      %dma_wait3A_31 = tpu.memref_slice %arg4[%dma_wait3A, %dma_wait3A_30] : memref<10000x128xf32, #tpu.memory_space<hbm>> -> memref<10000x128xf32, #tpu.memory_space<hbm>>
      tpu.wait_indirect_dma semaphore(%arg11 : memref<!tpu.dma_semaphore, #tpu.memory_space<semaphore_mem>>) src(%dma_wait3A_31 : memref<10000x128xf32, #tpu.memory_space<hbm>>) dst(%arg9 : memref<80x128xf32, #tpu.memory_space<vmem>>)
      "tpu.region"() ({
        %run_scoped3A = tpu.sem_alloc : memref<!tpu.dma_semaphore, #tpu.memory_space<semaphore_mem>>
        %dma_start3A_32 = arith.constant 0 : i32
        %dma_start3A_33 = arith.constant 0 : i32
        %dma_start3A_34 = tpu.memref_slice %arg10[%dma_start3A_32, %dma_start3A_33] : memref<10000x128xf32, #tpu.memory_space<vmem_shared>> -> memref<10000x128xf32, #tpu.memory_space<vmem_shared>>
        tpu.enqueue_indirect_dma source(%arg9 : memref<80x128xf32, #tpu.memory_space<vmem>>) target(%dma_start3A_34 : memref<10000x128xf32, #tpu.memory_space<vmem_shared>>) offsets(%arg8 : memref<80xi32, #tpu.memory_space<vmem>>) semaphore(%run_scoped3A : memref<!tpu.dma_semaphore, #tpu.memory_space<semaphore_mem>>) {add = true}
        %dma_wait3A_35 = arith.constant 0 : i32
        %dma_wait3A_36 = arith.constant 0 : i32
        %dma_wait3A_37 = tpu.memref_slice %arg10[%dma_wait3A_35, %dma_wait3A_36] : memref<10000x128xf32, #tpu.memory_space<vmem_shared>> -> memref<10000x128xf32, #tpu.memory_space<vmem_shared>>
        tpu.wait_indirect_dma semaphore(%run_scoped3A : memref<!tpu.dma_semaphore, #tpu.memory_space<semaphore_mem>>) src(%arg9 : memref<80x128xf32, #tpu.memory_space<vmem>>) dst(%dma_wait3A_37 : memref<10000x128xf32, #tpu.memory_space<vmem_shared>>)
        tpu.yield
      }) : () -> ()
    }
    %scan3A_13 = arith.constant 125 : i32
    %barrier3A_14 = arith.constant 0 : index
    tpu.barrier barrier_id(%barrier3A_14)
    %mul3A_15 = arith.constant 624 : i32
    %mul3A_16 = arith.muli %arg1, %mul3A_15 : i32
    %mul3A_17 = arith.constant 624 : i32
    %mul3A_18 = arith.muli %arg1, %mul3A_17 : i32
    "tpu.region"() ({
      %run_scoped3A = tpu.sem_alloc : memref<!tpu.dma_semaphore, #tpu.memory_space<semaphore_mem>>
      %dma_start3A = arith.constant 0 : i32
      %dma_start3A_24 = tpu.memref_slice %arg6[%arg0, %mul3A_18, %dma_start3A] : memref<2x10000x128xf32, #tpu.memory_space<hbm>> -> memref<1x624x128xf32, #tpu.memory_space<hbm>>
      %dma_start3A_25 = tpu.memref_squeeze %dma_start3A_24 : memref<1x624x128xf32, #tpu.memory_space<hbm>> -> memref<624x128xf32, #tpu.memory_space<hbm>>
      %dma_start3A_26 = arith.constant 0 : i32
      %dma_start3A_27 = tpu.memref_slice %arg10[%mul3A_16, %dma_start3A_26] : memref<10000x128xf32, #tpu.memory_space<vmem_shared>> -> memref<624x128xf32, #tpu.memory_space<vmem_shared>>
      tpu.enqueue_dma source(%dma_start3A_27 : memref<624x128xf32, #tpu.memory_space<vmem_shared>>) target(%dma_start3A_25 : memref<624x128xf32, #tpu.memory_space<hbm>>) target_semaphore(%run_scoped3A : memref<!tpu.dma_semaphore, #tpu.memory_space<semaphore_mem>>)
      %dma_wait3A = arith.constant 0 : i32
      %dma_wait3A_28 = tpu.memref_slice %arg6[%arg0, %mul3A_18, %dma_wait3A] : memref<2x10000x128xf32, #tpu.memory_space<hbm>> -> memref<1x624x128xf32, #tpu.memory_space<hbm>>
      %dma_wait3A_29 = tpu.memref_squeeze %dma_wait3A_28 : memref<1x624x128xf32, #tpu.memory_space<hbm>> -> memref<624x128xf32, #tpu.memory_space<hbm>>
      %dma_wait3A_30 = arith.constant 0 : i32
      %dma_wait3A_31 = tpu.memref_slice %arg10[%mul3A_16, %dma_wait3A_30] : memref<10000x128xf32, #tpu.memory_space<vmem_shared>> -> memref<624x128xf32, #tpu.memory_space<vmem_shared>>
      tpu.wait_dma2 semaphore(%run_scoped3A : memref<!tpu.dma_semaphore, #tpu.memory_space<semaphore_mem>>) src(%dma_wait3A_31 : memref<624x128xf32, #tpu.memory_space<vmem_shared>>) dst(%dma_wait3A_29 : memref<624x128xf32, #tpu.memory_space<hbm>>)
      tpu.yield
    }) : () -> ()
    %eq3A_19 = arith.constant 15 : i32
    %eq3A_20 = arith.cmpi eq, %arg1, %eq3A_19 : i32
    %convert_element_type3A_21 = arith.extui %eq3A_20 : i1 to i32
    %cond3A_22 = arith.constant 0 : i32
    %cond3A_23 = arith.cmpi ne, %convert_element_type3A_21, %cond3A_22 : i32
    scf.if %cond3A_23 {
      "tpu.region"() ({
        %run_scoped3A = tpu.sem_alloc : memref<!tpu.dma_semaphore, #tpu.memory_space<semaphore_mem>>
        %dma_start3A = arith.constant 9984 : i32
        %dma_start3A_24 = arith.constant 0 : i32
        %dma_start3A_25 = tpu.memref_slice %arg6[%arg0, %dma_start3A, %dma_start3A_24] : memref<2x10000x128xf32, #tpu.memory_space<hbm>> -> memref<1x16x128xf32, #tpu.memory_space<hbm>>
        %dma_start3A_26 = tpu.memref_squeeze %dma_start3A_25 : memref<1x16x128xf32, #tpu.memory_space<hbm>> -> memref<16x128xf32, #tpu.memory_space<hbm>>
        %dma_start3A_27 = arith.constant 9984 : i32
        %dma_start3A_28 = arith.constant 0 : i32
        %dma_start3A_29 = tpu.memref_slice %arg10[%dma_start3A_27, %dma_start3A_28] : memref<10000x128xf32, #tpu.memory_space<vmem_shared>> -> memref<16x128xf32, #tpu.memory_space<vmem_shared>>
        tpu.enqueue_dma source(%dma_start3A_29 : memref<16x128xf32, #tpu.memory_space<vmem_shared>>) target(%dma_start3A_26 : memref<16x128xf32, #tpu.memory_space<hbm>>) target_semaphore(%run_scoped3A : memref<!tpu.dma_semaphore, #tpu.memory_space<semaphore_mem>>)
        %dma_wait3A = arith.constant 9984 : i32
        %dma_wait3A_30 = arith.constant 0 : i32
        %dma_wait3A_31 = tpu.memref_slice %arg6[%arg0, %dma_wait3A, %dma_wait3A_30] : memref<2x10000x128xf32, #tpu.memory_space<hbm>> -> memref<1x16x128xf32, #tpu.memory_space<hbm>>
        %dma_wait3A_32 = tpu.memref_squeeze %dma_wait3A_31 : memref<1x16x128xf32, #tpu.memory_space<hbm>> -> memref<16x128xf32, #tpu.memory_space<hbm>>
        %dma_wait3A_33 = arith.constant 9984 : i32
        %dma_wait3A_34 = arith.constant 0 : i32
        %dma_wait3A_35 = tpu.memref_slice %arg10[%dma_wait3A_33, %dma_wait3A_34] : memref<10000x128xf32, #tpu.memory_space<vmem_shared>> -> memref<16x128xf32, #tpu.memory_space<vmem_shared>>
        tpu.wait_dma2 semaphore(%run_scoped3A : memref<!tpu.dma_semaphore, #tpu.memory_space<semaphore_mem>>) src(%dma_wait3A_35 : memref<16x128xf32, #tpu.memory_space<vmem_shared>>) dst(%dma_wait3A_32 : memref<16x128xf32, #tpu.memory_space<hbm>>)
        tpu.yield
      }) : () -> ()
    } else {
    }
    return
  }
}

#map = affine_map<(d0, d1) -> (0)>
#map1 = affine_map<(d0, d1) -> (0, 0)>
#map2 = affine_map<(d0, d1) -> (0, 0, 0)>
module attributes {stable_mosaic.version = 14 : i64} {
  func.func @_sc_scatter_body(%arg0: i32, %arg1: i32, %arg2: memref<320000xi32, #tpu.memory_space<hbm>>, %arg3: memref<320000xi32, #tpu.memory_space<hbm>>, %arg4: memref<10000x128xf32, #tpu.memory_space<hbm>>, %arg5: memref<10000x128xf32, #tpu.memory_space<hbm>>, %arg6: memref<2x10000x128xf32, #tpu.memory_space<hbm>>, %arg7: memref<80xi32, #tpu.memory_space<vmem>>, %arg8: memref<80xi32, #tpu.memory_space<vmem>>, %arg9: memref<80x128xf32, #tpu.memory_space<vmem>>, %arg10: memref<10000x128xf32, #tpu.memory_space<vmem_shared>>, %arg11: memref<!tpu.dma_semaphore, #tpu.memory_space<semaphore_mem>>) attributes {dimension_semantics = [#tpu.dimension_semantics<core_parallel>, #tpu.dimension_semantics<subcore_parallel>], iteration_bounds = array<i64: 2, 16>, scalar_prefetch = 0 : i64, scratch_operands = 5 : i64, tpu.core_type = #tpu.core_type<sc_vector_subcore>, window_params = [{transform_indices = #map}, {transform_indices = #map}, {transform_indices = #map1}, {transform_indices = #map1}, {transform_indices = #map2}]} {
    %mul3A = arith.constant 624 : i32
    %mul3A_0 = arith.muli %arg1, %mul3A : i32
    %mul3A_1 = arith.constant 624 : i32
    %mul3A_2 = arith.muli %arg1, %mul3A_1 : i32
    "tpu.region"() ({
      %run_scoped3A = tpu.sem_alloc : memref<!tpu.dma_semaphore, #tpu.memory_space<semaphore_mem>>
      %dma_start3A = arith.constant 0 : i32
      %dma_start3A_24 = tpu.memref_slice %arg10[%mul3A_2, %dma_start3A] : memref<10000x128xf32, #tpu.memory_space<vmem_shared>> -> memref<624x128xf32, #tpu.memory_space<vmem_shared>>
      %dma_start3A_25 = arith.constant 0 : i32
      %dma_start3A_26 = tpu.memref_slice %arg5[%mul3A_0, %dma_start3A_25] : memref<10000x128xf32, #tpu.memory_space<hbm>> -> memref<624x128xf32, #tpu.memory_space<hbm>>
      tpu.enqueue_dma source(%dma_start3A_26 : memref<624x128xf32, #tpu.memory_space<hbm>>) target(%dma_start3A_24 : memref<624x128xf32, #tpu.memory_space<vmem_shared>>) target_semaphore(%run_scoped3A : memref<!tpu.dma_semaphore, #tpu.memory_space<semaphore_mem>>)
      %dma_wait3A = arith.constant 0 : i32
      %dma_wait3A_27 = tpu.memref_slice %arg10[%mul3A_2, %dma_wait3A] : memref<10000x128xf32, #tpu.memory_space<vmem_shared>> -> memref<624x128xf32, #tpu.memory_space<vmem_shared>>
      %dma_wait3A_28 = arith.constant 0 : i32
      %dma_wait3A_29 = tpu.memref_slice %arg5[%mul3A_0, %dma_wait3A_28] : memref<10000x128xf32, #tpu.memory_space<hbm>> -> memref<624x128xf32, #tpu.memory_space<hbm>>
      tpu.wait_dma2 semaphore(%run_scoped3A : memref<!tpu.dma_semaphore, #tpu.memory_space<semaphore_mem>>) src(%dma_wait3A_29 : memref<624x128xf32, #tpu.memory_space<hbm>>) dst(%dma_wait3A_27 : memref<624x128xf32, #tpu.memory_space<vmem_shared>>)
      tpu.yield
    }) : () -> ()
    %eq3A = arith.constant 15 : i32
    %eq3A_3 = arith.cmpi eq, %arg1, %eq3A : i32
    %convert_element_type3A = arith.extui %eq3A_3 : i1 to i32
    %cond3A = arith.constant 0 : i32
    %cond3A_4 = arith.cmpi ne, %convert_element_type3A, %cond3A : i32
    scf.if %cond3A_4 {
      "tpu.region"() ({
        %run_scoped3A = tpu.sem_alloc : memref<!tpu.dma_semaphore, #tpu.memory_space<semaphore_mem>>
        %dma_start3A = arith.constant 9984 : i32
        %dma_start3A_24 = arith.constant 0 : i32
        %dma_start3A_25 = tpu.memref_slice %arg10[%dma_start3A, %dma_start3A_24] : memref<10000x128xf32, #tpu.memory_space<vmem_shared>> -> memref<16x128xf32, #tpu.memory_space<vmem_shared>>
        %dma_start3A_26 = arith.constant 9984 : i32
        %dma_start3A_27 = arith.constant 0 : i32
        %dma_start3A_28 = tpu.memref_slice %arg5[%dma_start3A_26, %dma_start3A_27] : memref<10000x128xf32, #tpu.memory_space<hbm>> -> memref<16x128xf32, #tpu.memory_space<hbm>>
        tpu.enqueue_dma source(%dma_start3A_28 : memref<16x128xf32, #tpu.memory_space<hbm>>) target(%dma_start3A_25 : memref<16x128xf32, #tpu.memory_space<vmem_shared>>) target_semaphore(%run_scoped3A : memref<!tpu.dma_semaphore, #tpu.memory_space<semaphore_mem>>)
        %dma_wait3A = arith.constant 9984 : i32
        %dma_wait3A_29 = arith.constant 0 : i32
        %dma_wait3A_30 = tpu.memref_slice %arg10[%dma_wait3A, %dma_wait3A_29] : memref<10000x128xf32, #tpu.memory_space<vmem_shared>> -> memref<16x128xf32, #tpu.memory_space<vmem_shared>>
        %dma_wait3A_31 = arith.constant 9984 : i32
        %dma_wait3A_32 = arith.constant 0 : i32
        %dma_wait3A_33 = tpu.memref_slice %arg5[%dma_wait3A_31, %dma_wait3A_32] : memref<10000x128xf32, #tpu.memory_space<hbm>> -> memref<16x128xf32, #tpu.memory_space<hbm>>
        tpu.wait_dma2 semaphore(%run_scoped3A : memref<!tpu.dma_semaphore, #tpu.memory_space<semaphore_mem>>) src(%dma_wait3A_33 : memref<16x128xf32, #tpu.memory_space<hbm>>) dst(%dma_wait3A_30 : memref<16x128xf32, #tpu.memory_space<vmem_shared>>)
        tpu.yield
      }) : () -> ()
    } else {
    }
    %barrier3A = arith.constant 0 : index
    tpu.barrier barrier_id(%barrier3A)
    %mul3A_5 = arith.constant 16 : i32
    %mul3A_6 = arith.muli %arg0, %mul3A_5 : i32
    %add3A = arith.addi %mul3A_6, %arg1 : i32
    %mul3A_7 = arith.constant 10000 : i32
    %mul3A_8 = arith.muli %add3A, %mul3A_7 : i32
    %scan3A = arith.constant 0 : i32
    %scan3A_9 = arith.constant 0 : i32
    %scan3A_10 = arith.constant 125 : i32
    %scan3A_11 = arith.addi %scan3A_9, %scan3A_10 : i32
    %scan3A_12 = arith.constant 1 : i32
    scf.for %scan3A_24 = %scan3A_9 to %scan3A_11 step %scan3A_12  : i32 {
      %mul3A_25 = arith.constant 80 : i32
      %mul3A_26 = arith.muli %scan3A_24, %mul3A_25 : i32
      %add3A_27 = arith.addi %mul3A_8, %mul3A_26 : i32
      "tpu.region"() ({
        %run_scoped3A = tpu.sem_alloc : memref<!tpu.dma_semaphore, #tpu.memory_space<semaphore_mem>>
        %dma_start3A_32 = tpu.memref_slice %arg2[%add3A_27] : memref<320000xi32, #tpu.memory_space<hbm>> -> memref<80xi32, #tpu.memory_space<hbm>>
        %dma_start3A_33 = tpu.memref_slice %arg2[%add3A_27] : memref<320000xi32, #tpu.memory_space<hbm>> -> memref<80xi32, #tpu.memory_space<hbm>>
        tpu.enqueue_dma source(%dma_start3A_33 : memref<80xi32, #tpu.memory_space<hbm>>) target(%arg7 : memref<80xi32, #tpu.memory_space<vmem>>) target_semaphore(%run_scoped3A : memref<!tpu.dma_semaphore, #tpu.memory_space<semaphore_mem>>)
        %dma_wait3A_34 = tpu.memref_slice %arg2[%add3A_27] : memref<320000xi32, #tpu.memory_space<hbm>> -> memref<80xi32, #tpu.memory_space<hbm>>
        %dma_wait3A_35 = tpu.memref_slice %arg2[%add3A_27] : memref<320000xi32, #tpu.memory_space<hbm>> -> memref<80xi32, #tpu.memory_space<hbm>>
        tpu.wait_dma2 semaphore(%run_scoped3A : memref<!tpu.dma_semaphore, #tpu.memory_space<semaphore_mem>>) src(%dma_wait3A_35 : memref<80xi32, #tpu.memory_space<hbm>>) dst(%arg7 : memref<80xi32, #tpu.memory_space<vmem>>)
        tpu.yield
      }) : () -> ()
      "tpu.region"() ({
        %run_scoped3A = tpu.sem_alloc : memref<!tpu.dma_semaphore, #tpu.memory_space<semaphore_mem>>
        %dma_start3A_32 = tpu.memref_slice %arg3[%add3A_27] : memref<320000xi32, #tpu.memory_space<hbm>> -> memref<80xi32, #tpu.memory_space<hbm>>
        %dma_start3A_33 = tpu.memref_slice %arg3[%add3A_27] : memref<320000xi32, #tpu.memory_space<hbm>> -> memref<80xi32, #tpu.memory_space<hbm>>
        tpu.enqueue_dma source(%dma_start3A_33 : memref<80xi32, #tpu.memory_space<hbm>>) target(%arg8 : memref<80xi32, #tpu.memory_space<vmem>>) target_semaphore(%run_scoped3A : memref<!tpu.dma_semaphore, #tpu.memory_space<semaphore_mem>>)
        %dma_wait3A_34 = tpu.memref_slice %arg3[%add3A_27] : memref<320000xi32, #tpu.memory_space<hbm>> -> memref<80xi32, #tpu.memory_space<hbm>>
        %dma_wait3A_35 = tpu.memref_slice %arg3[%add3A_27] : memref<320000xi32, #tpu.memory_space<hbm>> -> memref<80xi32, #tpu.memory_space<hbm>>
        tpu.wait_dma2 semaphore(%run_scoped3A : memref<!tpu.dma_semaphore, #tpu.memory_space<semaphore_mem>>) src(%dma_wait3A_35 : memref<80xi32, #tpu.memory_space<hbm>>) dst(%arg8 : memref<80xi32, #tpu.memory_space<vmem>>)
        tpu.yield
      }) : () -> ()
      %dma_start3A = arith.constant 0 : i32
      %dma_start3A_28 = arith.constant 0 : i32
      %dma_start3A_29 = tpu.memref_slice %arg4[%dma_start3A, %dma_start3A_28] : memref<10000x128xf32, #tpu.memory_space<hbm>> -> memref<10000x128xf32, #tpu.memory_space<hbm>>
      tpu.enqueue_indirect_dma source(%dma_start3A_29 : memref<10000x128xf32, #tpu.memory_space<hbm>>) target(%arg9 : memref<80x128xf32, #tpu.memory_space<vmem>>) offsets(%arg7 : memref<80xi32, #tpu.memory_space<vmem>>) semaphore(%arg11 : memref<!tpu.dma_semaphore, #tpu.memory_space<semaphore_mem>>)
      %dma_wait3A = arith.constant 0 : i32
      %dma_wait3A_30 = arith.constant 0 : i32
      %dma_wait3A_31 = tpu.memref_slice %arg4[%dma_wait3A, %dma_wait3A_30] : memref<10000x128xf32, #tpu.memory_space<hbm>> -> memref<10000x128xf32, #tpu.memory_space<hbm>>
      tpu.wait_indirect_dma semaphore(%arg11 : memref<!tpu.dma_semaphore, #tpu.memory_space<semaphore_mem>>) src(%dma_wait3A_31 : memref<10000x128xf32, #tpu.memory_space<hbm>>) dst(%arg9 : memref<80x128xf32, #tpu.memory_space<vmem>>)
      "tpu.region"() ({
        %run_scoped3A = tpu.sem_alloc : memref<!tpu.dma_semaphore, #tpu.memory_space<semaphore_mem>>
        %dma_start3A_32 = arith.constant 0 : i32
        %dma_start3A_33 = arith.constant 0 : i32
        %dma_start3A_34 = tpu.memref_slice %arg10[%dma_start3A_32, %dma_start3A_33] : memref<10000x128xf32, #tpu.memory_space<vmem_shared>> -> memref<10000x128xf32, #tpu.memory_space<vmem_shared>>
        tpu.enqueue_indirect_dma source(%arg9 : memref<80x128xf32, #tpu.memory_space<vmem>>) target(%dma_start3A_34 : memref<10000x128xf32, #tpu.memory_space<vmem_shared>>) offsets(%arg8 : memref<80xi32, #tpu.memory_space<vmem>>) semaphore(%run_scoped3A : memref<!tpu.dma_semaphore, #tpu.memory_space<semaphore_mem>>) {add = true}
        %dma_wait3A_35 = arith.constant 0 : i32
        %dma_wait3A_36 = arith.constant 0 : i32
        %dma_wait3A_37 = tpu.memref_slice %arg10[%dma_wait3A_35, %dma_wait3A_36] : memref<10000x128xf32, #tpu.memory_space<vmem_shared>> -> memref<10000x128xf32, #tpu.memory_space<vmem_shared>>
        tpu.wait_indirect_dma semaphore(%run_scoped3A : memref<!tpu.dma_semaphore, #tpu.memory_space<semaphore_mem>>) src(%arg9 : memref<80x128xf32, #tpu.memory_space<vmem>>) dst(%dma_wait3A_37 : memref<10000x128xf32, #tpu.memory_space<vmem_shared>>)
        tpu.yield
      }) : () -> ()
    }
    %scan3A_13 = arith.constant 125 : i32
    %barrier3A_14 = arith.constant 0 : index
    tpu.barrier barrier_id(%barrier3A_14)
    %mul3A_15 = arith.constant 624 : i32
    %mul3A_16 = arith.muli %arg1, %mul3A_15 : i32
    %mul3A_17 = arith.constant 624 : i32
    %mul3A_18 = arith.muli %arg1, %mul3A_17 : i32
    "tpu.region"() ({
      %run_scoped3A = tpu.sem_alloc : memref<!tpu.dma_semaphore, #tpu.memory_space<semaphore_mem>>
      %dma_start3A = arith.constant 0 : i32
      %dma_start3A_24 = tpu.memref_slice %arg6[%arg0, %mul3A_18, %dma_start3A] : memref<2x10000x128xf32, #tpu.memory_space<hbm>> -> memref<1x624x128xf32, #tpu.memory_space<hbm>>
      %dma_start3A_25 = tpu.memref_squeeze %dma_start3A_24 : memref<1x624x128xf32, #tpu.memory_space<hbm>> -> memref<624x128xf32, #tpu.memory_space<hbm>>
      %dma_start3A_26 = arith.constant 0 : i32
      %dma_start3A_27 = tpu.memref_slice %arg10[%mul3A_16, %dma_start3A_26] : memref<10000x128xf32, #tpu.memory_space<vmem_shared>> -> memref<624x128xf32, #tpu.memory_space<vmem_shared>>
      tpu.enqueue_dma source(%dma_start3A_27 : memref<624x128xf32, #tpu.memory_space<vmem_shared>>) target(%dma_start3A_25 : memref<624x128xf32, #tpu.memory_space<hbm>>) target_semaphore(%run_scoped3A : memref<!tpu.dma_semaphore, #tpu.memory_space<semaphore_mem>>)
      %dma_wait3A = arith.constant 0 : i32
      %dma_wait3A_28 = tpu.memref_slice %arg6[%arg0, %mul3A_18, %dma_wait3A] : memref<2x10000x128xf32, #tpu.memory_space<hbm>> -> memref<1x624x128xf32, #tpu.memory_space<hbm>>
      %dma_wait3A_29 = tpu.memref_squeeze %dma_wait3A_28 : memref<1x624x128xf32, #tpu.memory_space<hbm>> -> memref<624x128xf32, #tpu.memory_space<hbm>>
      %dma_wait3A_30 = arith.constant 0 : i32
      %dma_wait3A_31 = tpu.memref_slice %arg10[%mul3A_16, %dma_wait3A_30] : memref<10000x128xf32, #tpu.memory_space<vmem_shared>> -> memref<624x128xf32, #tpu.memory_space<vmem_shared>>
      tpu.wait_dma2 semaphore(%run_scoped3A : memref<!tpu.dma_semaphore, #tpu.memory_space<semaphore_mem>>) src(%dma_wait3A_31 : memref<624x128xf32, #tpu.memory_space<vmem_shared>>) dst(%dma_wait3A_29 : memref<624x128xf32, #tpu.memory_space<hbm>>)
      tpu.yield
    }) : () -> ()
    %eq3A_19 = arith.constant 15 : i32
    %eq3A_20 = arith.cmpi eq, %arg1, %eq3A_19 : i32
    %convert_element_type3A_21 = arith.extui %eq3A_20 : i1 to i32
    %cond3A_22 = arith.constant 0 : i32
    %cond3A_23 = arith.cmpi ne, %convert_element_type3A_21, %cond3A_22 : i32
    scf.if %cond3A_23 {
      "tpu.region"() ({
        %run_scoped3A = tpu.sem_alloc : memref<!tpu.dma_semaphore, #tpu.memory_space<semaphore_mem>>
        %dma_start3A = arith.constant 9984 : i32
        %dma_start3A_24 = arith.constant 0 : i32
        %dma_start3A_25 = tpu.memref_slice %arg6[%arg0, %dma_start3A, %dma_start3A_24] : memref<2x10000x128xf32, #tpu.memory_space<hbm>> -> memref<1x16x128xf32, #tpu.memory_space<hbm>>
        %dma_start3A_26 = tpu.memref_squeeze %dma_start3A_25 : memref<1x16x128xf32, #tpu.memory_space<hbm>> -> memref<16x128xf32, #tpu.memory_space<hbm>>
        %dma_start3A_27 = arith.constant 9984 : i32
        %dma_start3A_28 = arith.constant 0 : i32
        %dma_start3A_29 = tpu.memref_slice %arg10[%dma_start3A_27, %dma_start3A_28] : memref<10000x128xf32, #tpu.memory_space<vmem_shared>> -> memref<16x128xf32, #tpu.memory_space<vmem_shared>>
        tpu.enqueue_dma source(%dma_start3A_29 : memref<16x128xf32, #tpu.memory_space<vmem_shared>>) target(%dma_start3A_26 : memref<16x128xf32, #tpu.memory_space<hbm>>) target_semaphore(%run_scoped3A : memref<!tpu.dma_semaphore, #tpu.memory_space<semaphore_mem>>)
        %dma_wait3A = arith.constant 9984 : i32
        %dma_wait3A_30 = arith.constant 0 : i32
        %dma_wait3A_31 = tpu.memref_slice %arg6[%arg0, %dma_wait3A, %dma_wait3A_30] : memref<2x10000x128xf32, #tpu.memory_space<hbm>> -> memref<1x16x128xf32, #tpu.memory_space<hbm>>
        %dma_wait3A_32 = tpu.memref_squeeze %dma_wait3A_31 : memref<1x16x128xf32, #tpu.memory_space<hbm>> -> memref<16x128xf32, #tpu.memory_space<hbm>>
        %dma_wait3A_33 = arith.constant 9984 : i32
        %dma_wait3A_34 = arith.constant 0 : i32
        %dma_wait3A_35 = tpu.memref_slice %arg10[%dma_wait3A_33, %dma_wait3A_34] : memref<10000x128xf32, #tpu.memory_space<vmem_shared>> -> memref<16x128xf32, #tpu.memory_space<vmem_shared>>
        tpu.wait_dma2 semaphore(%run_scoped3A : memref<!tpu.dma_semaphore, #tpu.memory_space<semaphore_mem>>) src(%dma_wait3A_35 : memref<16x128xf32, #tpu.memory_space<vmem_shared>>) dst(%dma_wait3A_32 : memref<16x128xf32, #tpu.memory_space<hbm>>)
        tpu.yield
      }) : () -> ()
    } else {
    }
    return
  }
}

#map = affine_map<(d0, d1) -> (0)>
#map1 = affine_map<(d0, d1) -> (0, 0)>
#map2 = affine_map<(d0, d1) -> (0, 0, 0)>
module attributes {stable_mosaic.version = 14 : i64} {
  func.func @_sc_scatter_body(%arg0: i32, %arg1: i32, %arg2: memref<320000xi32, #tpu.memory_space<hbm>>, %arg3: memref<320000xi32, #tpu.memory_space<hbm>>, %arg4: memref<10000x128xf32, #tpu.memory_space<hbm>>, %arg5: memref<10000x128xf32, #tpu.memory_space<hbm>>, %arg6: memref<2x10000x128xf32, #tpu.memory_space<hbm>>, %arg7: memref<80xi32, #tpu.memory_space<vmem>>, %arg8: memref<80xi32, #tpu.memory_space<vmem>>, %arg9: memref<80x128xf32, #tpu.memory_space<vmem>>, %arg10: memref<10000x128xf32, #tpu.memory_space<vmem_shared>>, %arg11: memref<!tpu.dma_semaphore, #tpu.memory_space<semaphore_mem>>) attributes {dimension_semantics = [#tpu.dimension_semantics<core_parallel>, #tpu.dimension_semantics<subcore_parallel>], iteration_bounds = array<i64: 2, 16>, scalar_prefetch = 0 : i64, scratch_operands = 5 : i64, tpu.core_type = #tpu.core_type<sc_vector_subcore>, window_params = [{transform_indices = #map}, {transform_indices = #map}, {transform_indices = #map1}, {transform_indices = #map1}, {transform_indices = #map2}]} {
    %mul3A = arith.constant 624 : i32
    %mul3A_0 = arith.muli %arg1, %mul3A : i32
    %mul3A_1 = arith.constant 624 : i32
    %mul3A_2 = arith.muli %arg1, %mul3A_1 : i32
    "tpu.region"() ({
      %run_scoped3A = tpu.sem_alloc : memref<!tpu.dma_semaphore, #tpu.memory_space<semaphore_mem>>
      %dma_start3A = arith.constant 0 : i32
      %dma_start3A_24 = tpu.memref_slice %arg10[%mul3A_2, %dma_start3A] : memref<10000x128xf32, #tpu.memory_space<vmem_shared>> -> memref<624x128xf32, #tpu.memory_space<vmem_shared>>
      %dma_start3A_25 = arith.constant 0 : i32
      %dma_start3A_26 = tpu.memref_slice %arg5[%mul3A_0, %dma_start3A_25] : memref<10000x128xf32, #tpu.memory_space<hbm>> -> memref<624x128xf32, #tpu.memory_space<hbm>>
      tpu.enqueue_dma source(%dma_start3A_26 : memref<624x128xf32, #tpu.memory_space<hbm>>) target(%dma_start3A_24 : memref<624x128xf32, #tpu.memory_space<vmem_shared>>) target_semaphore(%run_scoped3A : memref<!tpu.dma_semaphore, #tpu.memory_space<semaphore_mem>>)
      %dma_wait3A = arith.constant 0 : i32
      %dma_wait3A_27 = tpu.memref_slice %arg10[%mul3A_2, %dma_wait3A] : memref<10000x128xf32, #tpu.memory_space<vmem_shared>> -> memref<624x128xf32, #tpu.memory_space<vmem_shared>>
      %dma_wait3A_28 = arith.constant 0 : i32
      %dma_wait3A_29 = tpu.memref_slice %arg5[%mul3A_0, %dma_wait3A_28] : memref<10000x128xf32, #tpu.memory_space<hbm>> -> memref<624x128xf32, #tpu.memory_space<hbm>>
      tpu.wait_dma2 semaphore(%run_scoped3A : memref<!tpu.dma_semaphore, #tpu.memory_space<semaphore_mem>>) src(%dma_wait3A_29 : memref<624x128xf32, #tpu.memory_space<hbm>>) dst(%dma_wait3A_27 : memref<624x128xf32, #tpu.memory_space<vmem_shared>>)
      tpu.yield
    }) : () -> ()
    %eq3A = arith.constant 15 : i32
    %eq3A_3 = arith.cmpi eq, %arg1, %eq3A : i32
    %convert_element_type3A = arith.extui %eq3A_3 : i1 to i32
    %cond3A = arith.constant 0 : i32
    %cond3A_4 = arith.cmpi ne, %convert_element_type3A, %cond3A : i32
    scf.if %cond3A_4 {
      "tpu.region"() ({
        %run_scoped3A = tpu.sem_alloc : memref<!tpu.dma_semaphore, #tpu.memory_space<semaphore_mem>>
        %dma_start3A = arith.constant 9984 : i32
        %dma_start3A_24 = arith.constant 0 : i32
        %dma_start3A_25 = tpu.memref_slice %arg10[%dma_start3A, %dma_start3A_24] : memref<10000x128xf32, #tpu.memory_space<vmem_shared>> -> memref<16x128xf32, #tpu.memory_space<vmem_shared>>
        %dma_start3A_26 = arith.constant 9984 : i32
        %dma_start3A_27 = arith.constant 0 : i32
        %dma_start3A_28 = tpu.memref_slice %arg5[%dma_start3A_26, %dma_start3A_27] : memref<10000x128xf32, #tpu.memory_space<hbm>> -> memref<16x128xf32, #tpu.memory_space<hbm>>
        tpu.enqueue_dma source(%dma_start3A_28 : memref<16x128xf32, #tpu.memory_space<hbm>>) target(%dma_start3A_25 : memref<16x128xf32, #tpu.memory_space<vmem_shared>>) target_semaphore(%run_scoped3A : memref<!tpu.dma_semaphore, #tpu.memory_space<semaphore_mem>>)
        %dma_wait3A = arith.constant 9984 : i32
        %dma_wait3A_29 = arith.constant 0 : i32
        %dma_wait3A_30 = tpu.memref_slice %arg10[%dma_wait3A, %dma_wait3A_29] : memref<10000x128xf32, #tpu.memory_space<vmem_shared>> -> memref<16x128xf32, #tpu.memory_space<vmem_shared>>
        %dma_wait3A_31 = arith.constant 9984 : i32
        %dma_wait3A_32 = arith.constant 0 : i32
        %dma_wait3A_33 = tpu.memref_slice %arg5[%dma_wait3A_31, %dma_wait3A_32] : memref<10000x128xf32, #tpu.memory_space<hbm>> -> memref<16x128xf32, #tpu.memory_space<hbm>>
        tpu.wait_dma2 semaphore(%run_scoped3A : memref<!tpu.dma_semaphore, #tpu.memory_space<semaphore_mem>>) src(%dma_wait3A_33 : memref<16x128xf32, #tpu.memory_space<hbm>>) dst(%dma_wait3A_30 : memref<16x128xf32, #tpu.memory_space<vmem_shared>>)
        tpu.yield
      }) : () -> ()
    } else {
    }
    %barrier3A = arith.constant 0 : index
    tpu.barrier barrier_id(%barrier3A)
    %mul3A_5 = arith.constant 16 : i32
    %mul3A_6 = arith.muli %arg0, %mul3A_5 : i32
    %add3A = arith.addi %mul3A_6, %arg1 : i32
    %mul3A_7 = arith.constant 10000 : i32
    %mul3A_8 = arith.muli %add3A, %mul3A_7 : i32
    %scan3A = arith.constant 0 : i32
    %scan3A_9 = arith.constant 0 : i32
    %scan3A_10 = arith.constant 125 : i32
    %scan3A_11 = arith.addi %scan3A_9, %scan3A_10 : i32
    %scan3A_12 = arith.constant 1 : i32
    scf.for %scan3A_24 = %scan3A_9 to %scan3A_11 step %scan3A_12  : i32 {
      %mul3A_25 = arith.constant 80 : i32
      %mul3A_26 = arith.muli %scan3A_24, %mul3A_25 : i32
      %add3A_27 = arith.addi %mul3A_8, %mul3A_26 : i32
      "tpu.region"() ({
        %run_scoped3A = tpu.sem_alloc : memref<!tpu.dma_semaphore, #tpu.memory_space<semaphore_mem>>
        %dma_start3A_32 = tpu.memref_slice %arg2[%add3A_27] : memref<320000xi32, #tpu.memory_space<hbm>> -> memref<80xi32, #tpu.memory_space<hbm>>
        %dma_start3A_33 = tpu.memref_slice %arg2[%add3A_27] : memref<320000xi32, #tpu.memory_space<hbm>> -> memref<80xi32, #tpu.memory_space<hbm>>
        tpu.enqueue_dma source(%dma_start3A_33 : memref<80xi32, #tpu.memory_space<hbm>>) target(%arg7 : memref<80xi32, #tpu.memory_space<vmem>>) target_semaphore(%run_scoped3A : memref<!tpu.dma_semaphore, #tpu.memory_space<semaphore_mem>>)
        %dma_wait3A_34 = tpu.memref_slice %arg2[%add3A_27] : memref<320000xi32, #tpu.memory_space<hbm>> -> memref<80xi32, #tpu.memory_space<hbm>>
        %dma_wait3A_35 = tpu.memref_slice %arg2[%add3A_27] : memref<320000xi32, #tpu.memory_space<hbm>> -> memref<80xi32, #tpu.memory_space<hbm>>
        tpu.wait_dma2 semaphore(%run_scoped3A : memref<!tpu.dma_semaphore, #tpu.memory_space<semaphore_mem>>) src(%dma_wait3A_35 : memref<80xi32, #tpu.memory_space<hbm>>) dst(%arg7 : memref<80xi32, #tpu.memory_space<vmem>>)
        tpu.yield
      }) : () -> ()
      "tpu.region"() ({
        %run_scoped3A = tpu.sem_alloc : memref<!tpu.dma_semaphore, #tpu.memory_space<semaphore_mem>>
        %dma_start3A_32 = tpu.memref_slice %arg3[%add3A_27] : memref<320000xi32, #tpu.memory_space<hbm>> -> memref<80xi32, #tpu.memory_space<hbm>>
        %dma_start3A_33 = tpu.memref_slice %arg3[%add3A_27] : memref<320000xi32, #tpu.memory_space<hbm>> -> memref<80xi32, #tpu.memory_space<hbm>>
        tpu.enqueue_dma source(%dma_start3A_33 : memref<80xi32, #tpu.memory_space<hbm>>) target(%arg8 : memref<80xi32, #tpu.memory_space<vmem>>) target_semaphore(%run_scoped3A : memref<!tpu.dma_semaphore, #tpu.memory_space<semaphore_mem>>)
        %dma_wait3A_34 = tpu.memref_slice %arg3[%add3A_27] : memref<320000xi32, #tpu.memory_space<hbm>> -> memref<80xi32, #tpu.memory_space<hbm>>
        %dma_wait3A_35 = tpu.memref_slice %arg3[%add3A_27] : memref<320000xi32, #tpu.memory_space<hbm>> -> memref<80xi32, #tpu.memory_space<hbm>>
        tpu.wait_dma2 semaphore(%run_scoped3A : memref<!tpu.dma_semaphore, #tpu.memory_space<semaphore_mem>>) src(%dma_wait3A_35 : memref<80xi32, #tpu.memory_space<hbm>>) dst(%arg8 : memref<80xi32, #tpu.memory_space<vmem>>)
        tpu.yield
      }) : () -> ()
      %dma_start3A = arith.constant 0 : i32
      %dma_start3A_28 = arith.constant 0 : i32
      %dma_start3A_29 = tpu.memref_slice %arg4[%dma_start3A, %dma_start3A_28] : memref<10000x128xf32, #tpu.memory_space<hbm>> -> memref<10000x128xf32, #tpu.memory_space<hbm>>
      tpu.enqueue_indirect_dma source(%dma_start3A_29 : memref<10000x128xf32, #tpu.memory_space<hbm>>) target(%arg9 : memref<80x128xf32, #tpu.memory_space<vmem>>) offsets(%arg7 : memref<80xi32, #tpu.memory_space<vmem>>) semaphore(%arg11 : memref<!tpu.dma_semaphore, #tpu.memory_space<semaphore_mem>>)
      %dma_wait3A = arith.constant 0 : i32
      %dma_wait3A_30 = arith.constant 0 : i32
      %dma_wait3A_31 = tpu.memref_slice %arg4[%dma_wait3A, %dma_wait3A_30] : memref<10000x128xf32, #tpu.memory_space<hbm>> -> memref<10000x128xf32, #tpu.memory_space<hbm>>
      tpu.wait_indirect_dma semaphore(%arg11 : memref<!tpu.dma_semaphore, #tpu.memory_space<semaphore_mem>>) src(%dma_wait3A_31 : memref<10000x128xf32, #tpu.memory_space<hbm>>) dst(%arg9 : memref<80x128xf32, #tpu.memory_space<vmem>>)
      "tpu.region"() ({
        %run_scoped3A = tpu.sem_alloc : memref<!tpu.dma_semaphore, #tpu.memory_space<semaphore_mem>>
        %dma_start3A_32 = arith.constant 0 : i32
        %dma_start3A_33 = arith.constant 0 : i32
        %dma_start3A_34 = tpu.memref_slice %arg10[%dma_start3A_32, %dma_start3A_33] : memref<10000x128xf32, #tpu.memory_space<vmem_shared>> -> memref<10000x128xf32, #tpu.memory_space<vmem_shared>>
        tpu.enqueue_indirect_dma source(%arg9 : memref<80x128xf32, #tpu.memory_space<vmem>>) target(%dma_start3A_34 : memref<10000x128xf32, #tpu.memory_space<vmem_shared>>) offsets(%arg8 : memref<80xi32, #tpu.memory_space<vmem>>) semaphore(%run_scoped3A : memref<!tpu.dma_semaphore, #tpu.memory_space<semaphore_mem>>) {add = true}
        %dma_wait3A_35 = arith.constant 0 : i32
        %dma_wait3A_36 = arith.constant 0 : i32
        %dma_wait3A_37 = tpu.memref_slice %arg10[%dma_wait3A_35, %dma_wait3A_36] : memref<10000x128xf32, #tpu.memory_space<vmem_shared>> -> memref<10000x128xf32, #tpu.memory_space<vmem_shared>>
        tpu.wait_indirect_dma semaphore(%run_scoped3A : memref<!tpu.dma_semaphore, #tpu.memory_space<semaphore_mem>>) src(%arg9 : memref<80x128xf32, #tpu.memory_space<vmem>>) dst(%dma_wait3A_37 : memref<10000x128xf32, #tpu.memory_space<vmem_shared>>)
        tpu.yield
      }) : () -> ()
    }
    %scan3A_13 = arith.constant 125 : i32
    %barrier3A_14 = arith.constant 0 : index
    tpu.barrier barrier_id(%barrier3A_14)
    %mul3A_15 = arith.constant 624 : i32
    %mul3A_16 = arith.muli %arg1, %mul3A_15 : i32
    %mul3A_17 = arith.constant 624 : i32
    %mul3A_18 = arith.muli %arg1, %mul3A_17 : i32
    "tpu.region"() ({
      %run_scoped3A = tpu.sem_alloc : memref<!tpu.dma_semaphore, #tpu.memory_space<semaphore_mem>>
      %dma_start3A = arith.constant 0 : i32
      %dma_start3A_24 = tpu.memref_slice %arg6[%arg0, %mul3A_18, %dma_start3A] : memref<2x10000x128xf32, #tpu.memory_space<hbm>> -> memref<1x624x128xf32, #tpu.memory_space<hbm>>
      %dma_start3A_25 = tpu.memref_squeeze %dma_start3A_24 : memref<1x624x128xf32, #tpu.memory_space<hbm>> -> memref<624x128xf32, #tpu.memory_space<hbm>>
      %dma_start3A_26 = arith.constant 0 : i32
      %dma_start3A_27 = tpu.memref_slice %arg10[%mul3A_16, %dma_start3A_26] : memref<10000x128xf32, #tpu.memory_space<vmem_shared>> -> memref<624x128xf32, #tpu.memory_space<vmem_shared>>
      tpu.enqueue_dma source(%dma_start3A_27 : memref<624x128xf32, #tpu.memory_space<vmem_shared>>) target(%dma_start3A_25 : memref<624x128xf32, #tpu.memory_space<hbm>>) target_semaphore(%run_scoped3A : memref<!tpu.dma_semaphore, #tpu.memory_space<semaphore_mem>>)
      %dma_wait3A = arith.constant 0 : i32
      %dma_wait3A_28 = tpu.memref_slice %arg6[%arg0, %mul3A_18, %dma_wait3A] : memref<2x10000x128xf32, #tpu.memory_space<hbm>> -> memref<1x624x128xf32, #tpu.memory_space<hbm>>
      %dma_wait3A_29 = tpu.memref_squeeze %dma_wait3A_28 : memref<1x624x128xf32, #tpu.memory_space<hbm>> -> memref<624x128xf32, #tpu.memory_space<hbm>>
      %dma_wait3A_30 = arith.constant 0 : i32
      %dma_wait3A_31 = tpu.memref_slice %arg10[%mul3A_16, %dma_wait3A_30] : memref<10000x128xf32, #tpu.memory_space<vmem_shared>> -> memref<624x128xf32, #tpu.memory_space<vmem_shared>>
      tpu.wait_dma2 semaphore(%run_scoped3A : memref<!tpu.dma_semaphore, #tpu.memory_space<semaphore_mem>>) src(%dma_wait3A_31 : memref<624x128xf32, #tpu.memory_space<vmem_shared>>) dst(%dma_wait3A_29 : memref<624x128xf32, #tpu.memory_space<hbm>>)
      tpu.yield
    }) : () -> ()
    %eq3A_19 = arith.constant 15 : i32
    %eq3A_20 = arith.cmpi eq, %arg1, %eq3A_19 : i32
    %convert_element_type3A_21 = arith.extui %eq3A_20 : i1 to i32
    %cond3A_22 = arith.constant 0 : i32
    %cond3A_23 = arith.cmpi ne, %convert_element_type3A_21, %cond3A_22 : i32
    scf.if %cond3A_23 {
      "tpu.region"() ({
        %run_scoped3A = tpu.sem_alloc : memref<!tpu.dma_semaphore, #tpu.memory_space<semaphore_mem>>
        %dma_start3A = arith.constant 9984 : i32
        %dma_start3A_24 = arith.constant 0 : i32
        %dma_start3A_25 = tpu.memref_slice %arg6[%arg0, %dma_start3A, %dma_start3A_24] : memref<2x10000x128xf32, #tpu.memory_space<hbm>> -> memref<1x16x128xf32, #tpu.memory_space<hbm>>
        %dma_start3A_26 = tpu.memref_squeeze %dma_start3A_25 : memref<1x16x128xf32, #tpu.memory_space<hbm>> -> memref<16x128xf32, #tpu.memory_space<hbm>>
        %dma_start3A_27 = arith.constant 9984 : i32
        %dma_start3A_28 = arith.constant 0 : i32
        %dma_start3A_29 = tpu.memref_slice %arg10[%dma_start3A_27, %dma_start3A_28] : memref<10000x128xf32, #tpu.memory_space<vmem_shared>> -> memref<16x128xf32, #tpu.memory_space<vmem_shared>>
        tpu.enqueue_dma source(%dma_start3A_29 : memref<16x128xf32, #tpu.memory_space<vmem_shared>>) target(%dma_start3A_26 : memref<16x128xf32, #tpu.memory_space<hbm>>) target_semaphore(%run_scoped3A : memref<!tpu.dma_semaphore, #tpu.memory_space<semaphore_mem>>)
        %dma_wait3A = arith.constant 9984 : i32
        %dma_wait3A_30 = arith.constant 0 : i32
        %dma_wait3A_31 = tpu.memref_slice %arg6[%arg0, %dma_wait3A, %dma_wait3A_30] : memref<2x10000x128xf32, #tpu.memory_space<hbm>> -> memref<1x16x128xf32, #tpu.memory_space<hbm>>
        %dma_wait3A_32 = tpu.memref_squeeze %dma_wait3A_31 : memref<1x16x128xf32, #tpu.memory_space<hbm>> -> memref<16x128xf32, #tpu.memory_space<hbm>>
        %dma_wait3A_33 = arith.constant 9984 : i32
        %dma_wait3A_34 = arith.constant 0 : i32
        %dma_wait3A_35 = tpu.memref_slice %arg10[%dma_wait3A_33, %dma_wait3A_34] : memref<10000x128xf32, #tpu.memory_space<vmem_shared>> -> memref<16x128xf32, #tpu.memory_space<vmem_shared>>
        tpu.wait_dma2 semaphore(%run_scoped3A : memref<!tpu.dma_semaphore, #tpu.memory_space<semaphore_mem>>) src(%dma_wait3A_35 : memref<16x128xf32, #tpu.memory_space<vmem_shared>>) dst(%dma_wait3A_32 : memref<16x128xf32, #tpu.memory_space<hbm>>)
        tpu.yield
      }) : () -> ()
    } else {
    }
    return
  }
}

module attributes {stable_mosaic.version = 14 : i64} {
  func.func @_lin_body(%arg0: memref<10000x128xf32, #tpu.memory_space<vmem>>, %arg1: memref<128x128xf32, #tpu.memory_space<vmem>>, %arg2: memref<1x128xf32, #tpu.memory_space<vmem>>, %arg3: memref<10000x128xf32, #tpu.memory_space<vmem>>) attributes {dimension_semantics = [], scalar_prefetch = 0 : i64, scratch_operands = 0 : i64, tpu.core_type = #tpu.core_type<tc>} {
    %get3A = arith.constant 0 : index
    %get3A_0 = arith.constant 0 : index
    %get3A_1 = vector.load %arg0[%get3A, %get3A_0] : memref<10000x128xf32, #tpu.memory_space<vmem>>, vector<10000x128xf32>
    %get3A_2 = arith.constant 0 : index
    %get3A_3 = arith.constant 0 : index
    %get3A_4 = vector.load %arg1[%get3A_2, %get3A_3] : memref<128x128xf32, #tpu.memory_space<vmem>>, vector<128x128xf32>
    %dot_general3A = arith.constant dense<0.000000e+00> : vector<10000x128xf32>
    %dot_general3A_5 = tpu.matmul %get3A_1, %get3A_4, %dot_general3A {dimension_numbers = #tpu.dot_dimension_numbers<[1], [1], [0], [0], [0, 0, 1, 0], [], []>, transpose_lhs_hint = false} : vector<10000x128xf32>, vector<128x128xf32>, vector<10000x128xf32> -> vector<10000x128xf32>
    %get3A_6 = arith.constant 0 : index
    %get3A_7 = arith.constant 0 : index
    %get3A_8 = vector.load %arg2[%get3A_6, %get3A_7] : memref<1x128xf32, #tpu.memory_space<vmem>>, vector<1x128xf32>
    %add3A = vector.broadcast %get3A_8 : vector<1x128xf32> to vector<10000x128xf32>
    %add3A_9 = arith.addf %dot_general3A_5, %add3A : vector<10000x128xf32>
    %max3A = arith.constant 0.000000e+00 : f32
    %max3A_10 = vector.broadcast %max3A : f32 to vector<10000x128xf32>
    %max3A_11 = arith.maximumf %add3A_9, %max3A_10 : vector<10000x128xf32>
    %swap3A = arith.constant 0 : index
    %swap3A_12 = arith.constant 0 : index
    %swap3A_13 = vector.load %arg3[%swap3A, %swap3A_12] : memref<10000x128xf32, #tpu.memory_space<vmem>>, vector<10000x128xf32>
    tpu.vector_store %arg3[%swap3A, %swap3A_12], %max3A_11 {strides = array<i32>} : memref<10000x128xf32, #tpu.memory_space<vmem>>, vector<10000x128xf32>,
    return
  }
}

module attributes {stable_mosaic.version = 14 : i64} {
  func.func @_gin_body(%arg0: memref<10000x128xf32, #tpu.memory_space<vmem>>, %arg1: memref<10000x128xf32, #tpu.memory_space<vmem>>, %arg2: memref<10000x128xf32, #tpu.memory_space<vmem>>, %arg3: memref<128x128xf32, #tpu.memory_space<vmem>>, %arg4: memref<1x128xf32, #tpu.memory_space<vmem>>, %arg5: memref<1x128xf32, #tpu.memory_space<vmem>>, %arg6: memref<1x128xf32, #tpu.memory_space<vmem>>, %arg7: memref<128x128xf32, #tpu.memory_space<vmem>>, %arg8: memref<1x128xf32, #tpu.memory_space<vmem>>, %arg9: memref<1x128xf32, #tpu.memory_space<vmem>>, %arg10: memref<1x128xf32, #tpu.memory_space<vmem>>, %arg11: memref<1x128xf32, #tpu.memory_space<vmem>>, %arg12: memref<1x128xf32, #tpu.memory_space<vmem>>, %arg13: memref<10000x128xf32, #tpu.memory_space<vmem>>) attributes {dimension_semantics = [], scalar_prefetch = 0 : i64, scratch_operands = 0 : i64, tpu.core_type = #tpu.core_type<tc>} {
    %get3A = arith.constant 0 : index
    %get3A_0 = arith.constant 0 : index
    %get3A_1 = vector.load %arg0[%get3A, %get3A_0] : memref<10000x128xf32, #tpu.memory_space<vmem>>, vector<10000x128xf32>
    %get3A_2 = arith.constant 0 : index
    %get3A_3 = arith.constant 0 : index
    %get3A_4 = vector.load %arg1[%get3A_2, %get3A_3] : memref<10000x128xf32, #tpu.memory_space<vmem>>, vector<10000x128xf32>
    %add3A = arith.addf %get3A_1, %get3A_4 : vector<10000x128xf32>
    %get3A_5 = arith.constant 0 : index
    %get3A_6 = arith.constant 0 : index
    %get3A_7 = vector.load %arg2[%get3A_5, %get3A_6] : memref<10000x128xf32, #tpu.memory_space<vmem>>, vector<10000x128xf32>
    %add3A_8 = arith.addf %add3A, %get3A_7 : vector<10000x128xf32>
    %get3A_9 = arith.constant 0 : index
    %get3A_10 = arith.constant 0 : index
    %get3A_11 = vector.load %arg3[%get3A_9, %get3A_10] : memref<128x128xf32, #tpu.memory_space<vmem>>, vector<128x128xf32>
    %dot_general3A = arith.constant dense<0.000000e+00> : vector<10000x128xf32>
    %dot_general3A_12 = tpu.matmul %add3A_8, %get3A_11, %dot_general3A {dimension_numbers = #tpu.dot_dimension_numbers<[1], [1], [0], [0], [0, 0, 1, 0], [], []>, transpose_lhs_hint = false} : vector<10000x128xf32>, vector<128x128xf32>, vector<10000x128xf32> -> vector<10000x128xf32>
    %get3A_13 = arith.constant 0 : index
    %get3A_14 = arith.constant 0 : index
    %get3A_15 = vector.load %arg4[%get3A_13, %get3A_14] : memref<1x128xf32, #tpu.memory_space<vmem>>, vector<1x128xf32>
    %add3A_16 = vector.broadcast %get3A_15 : vector<1x128xf32> to vector<10000x128xf32>
    %add3A_17 = arith.addf %dot_general3A_12, %add3A_16 : vector<10000x128xf32>
    %get3A_18 = arith.constant 0 : index
    %get3A_19 = arith.constant 0 : index
    %get3A_20 = vector.load %arg5[%get3A_18, %get3A_19] : memref<1x128xf32, #tpu.memory_space<vmem>>, vector<1x128xf32>
    %get3A_21 = arith.constant 0 : index
    %get3A_22 = arith.constant 0 : index
    %get3A_23 = vector.load %arg6[%get3A_21, %get3A_22] : memref<1x128xf32, #tpu.memory_space<vmem>>, vector<1x128xf32>
    %reduce_sum3A = arith.constant dense<0.000000e+00> : vector<128xf32>
    %reduce_sum3A_24 = vector.multi_reduction <add>, %add3A_17, %reduce_sum3A [0] : vector<10000x128xf32> to vector<128xf32>
    %broadcast_in_dim3A = vector.shape_cast %reduce_sum3A_24 : vector<128xf32> to vector<1x128xf32>
    %div3A = arith.constant 1.000000e+04 : f32
    %div3A_25 = vector.broadcast %div3A : f32 to vector<1x128xf32>
    %div3A_26 = arith.divf %broadcast_in_dim3A, %div3A_25 : vector<1x128xf32>
    %mul3A = arith.mulf %add3A_17, %add3A_17 : vector<10000x128xf32>
    %reduce_sum3A_27 = arith.constant dense<0.000000e+00> : vector<128xf32>
    %reduce_sum3A_28 = vector.multi_reduction <add>, %mul3A, %reduce_sum3A_27 [0] : vector<10000x128xf32> to vector<128xf32>
    %broadcast_in_dim3A_29 = vector.shape_cast %reduce_sum3A_28 : vector<128xf32> to vector<1x128xf32>
    %div3A_30 = arith.constant 1.000000e+04 : f32
    %div3A_31 = vector.broadcast %div3A_30 : f32 to vector<1x128xf32>
    %div3A_32 = arith.divf %broadcast_in_dim3A_29, %div3A_31 : vector<1x128xf32>
    %mul3A_33 = arith.mulf %div3A_26, %div3A_26 : vector<1x128xf32>
    %sub3A = arith.subf %div3A_32, %mul3A_33 : vector<1x128xf32>
    %sub3A_34 = vector.broadcast %div3A_26 : vector<1x128xf32> to vector<10000x128xf32>
    %sub3A_35 = arith.subf %add3A_17, %sub3A_34 : vector<10000x128xf32>
    %mul3A_36 = vector.broadcast %get3A_20 : vector<1x128xf32> to vector<10000x128xf32>
    %mul3A_37 = arith.mulf %mul3A_36, %sub3A_35 : vector<10000x128xf32>
    %add3A_38 = arith.constant 9.99999974E-6 : f32
    %add3A_39 = vector.broadcast %add3A_38 : f32 to vector<1x128xf32>
    %add3A_40 = arith.addf %sub3A, %add3A_39 : vector<1x128xf32>
    %rsqrt3A = math.rsqrt %add3A_40 : vector<1x128xf32>
    %mul3A_41 = vector.broadcast %rsqrt3A : vector<1x128xf32> to vector<10000x128xf32>
    %mul3A_42 = arith.mulf %mul3A_37, %mul3A_41 : vector<10000x128xf32>
    %add3A_43 = vector.broadcast %get3A_23 : vector<1x128xf32> to vector<10000x128xf32>
    %add3A_44 = arith.addf %mul3A_42, %add3A_43 : vector<10000x128xf32>
    %max3A = arith.constant 0.000000e+00 : f32
    %max3A_45 = vector.broadcast %max3A : f32 to vector<10000x128xf32>
    %max3A_46 = arith.maximumf %add3A_44, %max3A_45 : vector<10000x128xf32>
    %get3A_47 = arith.constant 0 : index
    %get3A_48 = arith.constant 0 : index
    %get3A_49 = vector.load %arg7[%get3A_47, %get3A_48] : memref<128x128xf32, #tpu.memory_space<vmem>>, vector<128x128xf32>
    %dot_general3A_50 = arith.constant dense<0.000000e+00> : vector<10000x128xf32>
    %dot_general3A_51 = tpu.matmul %max3A_46, %get3A_49, %dot_general3A_50 {dimension_numbers = #tpu.dot_dimension_numbers<[1], [1], [0], [0], [0, 0, 1, 0], [], []>, transpose_lhs_hint = false} : vector<10000x128xf32>, vector<128x128xf32>, vector<10000x128xf32> -> vector<10000x128xf32>
    %get3A_52 = arith.constant 0 : index
    %get3A_53 = arith.constant 0 : index
    %get3A_54 = vector.load %arg8[%get3A_52, %get3A_53] : memref<1x128xf32, #tpu.memory_space<vmem>>, vector<1x128xf32>
    %add3A_55 = vector.broadcast %get3A_54 : vector<1x128xf32> to vector<10000x128xf32>
    %add3A_56 = arith.addf %dot_general3A_51, %add3A_55 : vector<10000x128xf32>
    %get3A_57 = arith.constant 0 : index
    %get3A_58 = arith.constant 0 : index
    %get3A_59 = vector.load %arg9[%get3A_57, %get3A_58] : memref<1x128xf32, #tpu.memory_space<vmem>>, vector<1x128xf32>
    %get3A_60 = arith.constant 0 : index
    %get3A_61 = arith.constant 0 : index
    %get3A_62 = vector.load %arg10[%get3A_60, %get3A_61] : memref<1x128xf32, #tpu.memory_space<vmem>>, vector<1x128xf32>
    %reduce_sum3A_63 = arith.constant dense<0.000000e+00> : vector<128xf32>
    %reduce_sum3A_64 = vector.multi_reduction <add>, %add3A_56, %reduce_sum3A_63 [0] : vector<10000x128xf32> to vector<128xf32>
    %broadcast_in_dim3A_65 = vector.shape_cast %reduce_sum3A_64 : vector<128xf32> to vector<1x128xf32>
    %div3A_66 = arith.constant 1.000000e+04 : f32
    %div3A_67 = vector.broadcast %div3A_66 : f32 to vector<1x128xf32>
    %div3A_68 = arith.divf %broadcast_in_dim3A_65, %div3A_67 : vector<1x128xf32>
    %mul3A_69 = arith.mulf %add3A_56, %add3A_56 : vector<10000x128xf32>
    %reduce_sum3A_70 = arith.constant dense<0.000000e+00> : vector<128xf32>
    %reduce_sum3A_71 = vector.multi_reduction <add>, %mul3A_69, %reduce_sum3A_70 [0] : vector<10000x128xf32> to vector<128xf32>
    %broadcast_in_dim3A_72 = vector.shape_cast %reduce_sum3A_71 : vector<128xf32> to vector<1x128xf32>
    %div3A_73 = arith.constant 1.000000e+04 : f32
    %div3A_74 = vector.broadcast %div3A_73 : f32 to vector<1x128xf32>
    %div3A_75 = arith.divf %broadcast_in_dim3A_72, %div3A_74 : vector<1x128xf32>
    %mul3A_76 = arith.mulf %div3A_68, %div3A_68 : vector<1x128xf32>
    %sub3A_77 = arith.subf %div3A_75, %mul3A_76 : vector<1x128xf32>
    %sub3A_78 = vector.broadcast %div3A_68 : vector<1x128xf32> to vector<10000x128xf32>
    %sub3A_79 = arith.subf %add3A_56, %sub3A_78 : vector<10000x128xf32>
    %mul3A_80 = vector.broadcast %get3A_59 : vector<1x128xf32> to vector<10000x128xf32>
    %mul3A_81 = arith.mulf %mul3A_80, %sub3A_79 : vector<10000x128xf32>
    %add3A_82 = arith.constant 9.99999974E-6 : f32
    %add3A_83 = vector.broadcast %add3A_82 : f32 to vector<1x128xf32>
    %add3A_84 = arith.addf %sub3A_77, %add3A_83 : vector<1x128xf32>
    %rsqrt3A_85 = math.rsqrt %add3A_84 : vector<1x128xf32>
    %mul3A_86 = vector.broadcast %rsqrt3A_85 : vector<1x128xf32> to vector<10000x128xf32>
    %mul3A_87 = arith.mulf %mul3A_81, %mul3A_86 : vector<10000x128xf32>
    %add3A_88 = vector.broadcast %get3A_62 : vector<1x128xf32> to vector<10000x128xf32>
    %add3A_89 = arith.addf %mul3A_87, %add3A_88 : vector<10000x128xf32>
    %max3A_90 = arith.constant 0.000000e+00 : f32
    %max3A_91 = vector.broadcast %max3A_90 : f32 to vector<10000x128xf32>
    %max3A_92 = arith.maximumf %add3A_89, %max3A_91 : vector<10000x128xf32>
    %reduce_sum3A_93 = arith.constant dense<0.000000e+00> : vector<10000xf32>
    %reduce_sum3A_94 = vector.multi_reduction <add>, %max3A_92, %reduce_sum3A_93 [1] : vector<10000x128xf32> to vector<10000xf32>
    %broadcast_in_dim3A_95 = vector.shape_cast %reduce_sum3A_94 : vector<10000xf32> to vector<10000x1xf32>
    %div3A_96 = arith.constant 1.280000e+02 : f32
    %div3A_97 = vector.broadcast %div3A_96 : f32 to vector<10000x1xf32>
    %div3A_98 = arith.divf %broadcast_in_dim3A_95, %div3A_97 : vector<10000x1xf32>
    %mul3A_99 = arith.mulf %max3A_92, %max3A_92 : vector<10000x128xf32>
    %reduce_sum3A_100 = arith.constant dense<0.000000e+00> : vector<10000xf32>
    %reduce_sum3A_101 = vector.multi_reduction <add>, %mul3A_99, %reduce_sum3A_100 [1] : vector<10000x128xf32> to vector<10000xf32>
    %broadcast_in_dim3A_102 = vector.shape_cast %reduce_sum3A_101 : vector<10000xf32> to vector<10000x1xf32>
    %div3A_103 = arith.constant 1.280000e+02 : f32
    %div3A_104 = vector.broadcast %div3A_103 : f32 to vector<10000x1xf32>
    %div3A_105 = arith.divf %broadcast_in_dim3A_102, %div3A_104 : vector<10000x1xf32>
    %mul3A_106 = arith.mulf %div3A_98, %div3A_98 : vector<10000x1xf32>
    %sub3A_107 = arith.subf %div3A_105, %mul3A_106 : vector<10000x1xf32>
    %get3A_108 = arith.constant 0 : index
    %get3A_109 = arith.constant 0 : index
    %get3A_110 = vector.load %arg11[%get3A_108, %get3A_109] : memref<1x128xf32, #tpu.memory_space<vmem>>, vector<1x128xf32>
    %sub3A_111 = vector.broadcast %div3A_98 : vector<10000x1xf32> to vector<10000x128xf32>
    %sub3A_112 = arith.subf %max3A_92, %sub3A_111 : vector<10000x128xf32>
    %mul3A_113 = vector.broadcast %get3A_110 : vector<1x128xf32> to vector<10000x128xf32>
    %mul3A_114 = arith.mulf %mul3A_113, %sub3A_112 : vector<10000x128xf32>
    %add3A_115 = arith.constant 9.99999974E-6 : f32
    %add3A_116 = vector.broadcast %add3A_115 : f32 to vector<10000x1xf32>
    %add3A_117 = arith.addf %sub3A_107, %add3A_116 : vector<10000x1xf32>
    %rsqrt3A_118 = math.rsqrt %add3A_117 : vector<10000x1xf32>
    %mul3A_119 = vector.broadcast %rsqrt3A_118 : vector<10000x1xf32> to vector<10000x128xf32>
    %mul3A_120 = arith.mulf %mul3A_114, %mul3A_119 : vector<10000x128xf32>
    %get3A_121 = arith.constant 0 : index
    %get3A_122 = arith.constant 0 : index
    %get3A_123 = vector.load %arg12[%get3A_121, %get3A_122] : memref<1x128xf32, #tpu.memory_space<vmem>>, vector<1x128xf32>
    %add3A_124 = vector.broadcast %get3A_123 : vector<1x128xf32> to vector<10000x128xf32>
    %add3A_125 = arith.addf %mul3A_120, %add3A_124 : vector<10000x128xf32>
    %swap3A = arith.constant 0 : index
    %swap3A_126 = arith.constant 0 : index
    %swap3A_127 = vector.load %arg13[%swap3A, %swap3A_126] : memref<10000x128xf32, #tpu.memory_space<vmem>>, vector<10000x128xf32>
    tpu.vector_store %arg13[%swap3A, %swap3A_126], %add3A_125 {strides = array<i32>} : memref<10000x128xf32, #tpu.memory_space<vmem>>, vector<10000x128xf32>,
    return
  }
}

module attributes {stable_mosaic.version = 14 : i64} {
  func.func @_segmax_body(%arg0: i32, %arg1: memref<80x128xi32, #tpu.memory_space<vmem>>, %arg2: memref<10000x128xf32, #tpu.memory_space<vmem>>, %arg3: memref<1x1x128xf32, #tpu.memory_space<vmem>>) attributes {dimension_semantics = [#tpu.dimension_semantics<arbitrary>], iteration_bounds = array<i64: 128>, scalar_prefetch = 0 : i64, scratch_operands = 0 : i64, tpu.core_type = #tpu.core_type<tc>, window_params = [{pipeline_mode = #tpu.pipeline_mode<synchronous>, transform_indices = @transform_0, window_bounds = array<i64: 80, 128>}, {pipeline_mode = #tpu.pipeline_mode<synchronous>, transform_indices = @transform_1, window_bounds = array<i64: 10000, 128>}, {transform_indices = @transform_2, window_bounds = array<i64: 1, 1, 128>}]} {
    %get3A = arith.constant 0 : index
    %get3A_0 = arith.constant 0 : index
    %get3A_1 = vector.load %arg1[%get3A, %get3A_0] : memref<80x128xi32, #tpu.memory_space<vmem>>, vector<80x128xi32>
    %lt3A = vector.broadcast %arg0 : i32 to vector<80x128xi32>
    %lt3A_2 = arith.cmpi slt, %get3A_1, %lt3A : vector<80x128xi32>
    %jit3A = arith.constant 1 : i32
    %jit3A_3 = arith.constant 0 : i32
    %broadcast_in_dim3A = vector.broadcast %jit3A : i32 to vector<80x128xi32>
    %broadcast_in_dim3A_4 = vector.broadcast %jit3A_3 : i32 to vector<80x128xi32>
    %select_n3A = arith.select %lt3A_2, %broadcast_in_dim3A, %broadcast_in_dim3A_4 : vector<80x128xi1>, vector<80x128xi32>
    %reduce_sum3A = vector.shape_cast %select_n3A : vector<80x128xi32> to vector<1x80x128xi32>
    %reduce_sum3A_5 = arith.constant dense<0> : vector<1xi32>
    %reduce_sum3A_6 = vector.multi_reduction <add>, %reduce_sum3A, %reduce_sum3A_5 [1, 2] : vector<1x80x128xi32> to vector<1xi32>
    %reduce_sum3A_7 = vector.shape_cast %reduce_sum3A_6 : vector<1xi32> to vector<1x1x1xi32>
    %reduce_sum3A_8 = vector.extract %reduce_sum3A_7[0, 0, 0] : i32 from vector<1x1x1xi32>
    %eq3A = vector.broadcast %arg0 : i32 to vector<80x128xi32>
    %eq3A_9 = arith.cmpi eq, %get3A_1, %eq3A : vector<80x128xi32>
    %jit3A_10 = arith.constant 1 : i32
    %jit3A_11 = arith.constant 0 : i32
    %broadcast_in_dim3A_12 = vector.broadcast %jit3A_10 : i32 to vector<80x128xi32>
    %broadcast_in_dim3A_13 = vector.broadcast %jit3A_11 : i32 to vector<80x128xi32>
    %select_n3A_14 = arith.select %eq3A_9, %broadcast_in_dim3A_12, %broadcast_in_dim3A_13 : vector<80x128xi1>, vector<80x128xi32>
    %reduce_sum3A_15 = vector.shape_cast %select_n3A_14 : vector<80x128xi32> to vector<1x80x128xi32>
    %reduce_sum3A_16 = arith.constant dense<0> : vector<1xi32>
    %reduce_sum3A_17 = vector.multi_reduction <add>, %reduce_sum3A_15, %reduce_sum3A_16 [1, 2] : vector<1x80x128xi32> to vector<1xi32>
    %reduce_sum3A_18 = vector.shape_cast %reduce_sum3A_17 : vector<1xi32> to vector<1x1x1xi32>
    %reduce_sum3A_19 = vector.extract %reduce_sum3A_18[0, 0, 0] : i32 from vector<1x1x1xi32>
    %add3A = arith.addi %reduce_sum3A_8, %reduce_sum3A_19 : i32
    %jit3A_20 = arith.constant 8 : i32
    %div3A = arith.divsi %reduce_sum3A_8, %jit3A_20 : i32
    %sign3A = arith.constant 0 : i32
    %sign3A_21 = arith.cmpi sgt, %reduce_sum3A_8, %sign3A : i32
    %sign3A_22 = arith.extui %sign3A_21 : i1 to i32
    %sign3A_23 = arith.constant 0 : i32
    %sign3A_24 = arith.cmpi slt, %reduce_sum3A_8, %sign3A_23 : i32
    %sign3A_25 = arith.extui %sign3A_24 : i1 to i32
    %sign3A_26 = arith.subi %sign3A_22, %sign3A_25 : i32
    %sign3A_27 = arith.constant 0 : i32
    %sign3A_28 = arith.cmpi sgt, %jit3A_20, %sign3A_27 : i32
    %sign3A_29 = arith.extui %sign3A_28 : i1 to i32
    %sign3A_30 = arith.constant 0 : i32
    %sign3A_31 = arith.cmpi slt, %jit3A_20, %sign3A_30 : i32
    %sign3A_32 = arith.extui %sign3A_31 : i1 to i32
    %sign3A_33 = arith.subi %sign3A_29, %sign3A_32 : i32
    %ne3A = arith.cmpi ne, %sign3A_26, %sign3A_33 : i32
    %rem3A = arith.remsi %reduce_sum3A_8, %jit3A_20 : i32
    %ne3A_34 = arith.constant 0 : i32
    %ne3A_35 = arith.cmpi ne, %rem3A, %ne3A_34 : i32
    %and3A = arith.andi %ne3A, %ne3A_35 : i1
    %sub3A = arith.constant 1 : i32
    %sub3A_36 = arith.subi %div3A, %sub3A : i32
    %select_n3A_37 = arith.select %and3A, %sub3A_36, %div3A : i32
    %add3A_38 = arith.constant 7 : i32
    %add3A_39 = arith.addi %add3A, %add3A_38 : i32
    %jit3A_40 = arith.constant 8 : i32
    %div3A_41 = arith.divsi %add3A_39, %jit3A_40 : i32
    %sign3A_42 = arith.constant 0 : i32
    %sign3A_43 = arith.cmpi sgt, %add3A_39, %sign3A_42 : i32
    %sign3A_44 = arith.extui %sign3A_43 : i1 to i32
    %sign3A_45 = arith.constant 0 : i32
    %sign3A_46 = arith.cmpi slt, %add3A_39, %sign3A_45 : i32
    %sign3A_47 = arith.extui %sign3A_46 : i1 to i32
    %sign3A_48 = arith.subi %sign3A_44, %sign3A_47 : i32
    %sign3A_49 = arith.constant 0 : i32
    %sign3A_50 = arith.cmpi sgt, %jit3A_40, %sign3A_49 : i32
    %sign3A_51 = arith.extui %sign3A_50 : i1 to i32
    %sign3A_52 = arith.constant 0 : i32
    %sign3A_53 = arith.cmpi slt, %jit3A_40, %sign3A_52 : i32
    %sign3A_54 = arith.extui %sign3A_53 : i1 to i32
    %sign3A_55 = arith.subi %sign3A_51, %sign3A_54 : i32
    %ne3A_56 = arith.cmpi ne, %sign3A_48, %sign3A_55 : i32
    %rem3A_57 = arith.remsi %add3A_39, %jit3A_40 : i32
    %ne3A_58 = arith.constant 0 : i32
    %ne3A_59 = arith.cmpi ne, %rem3A_57, %ne3A_58 : i32
    %and3A_60 = arith.andi %ne3A_56, %ne3A_59 : i1
    %sub3A_61 = arith.constant 1 : i32
    %sub3A_62 = arith.subi %div3A_41, %sub3A_61 : i32
    %select_n3A_63 = arith.select %and3A_60, %sub3A_62, %div3A_41 : i32
    %broadcast_in_dim3A_64 = arith.constant 0xFF800000 : f32
    %broadcast_in_dim3A_65 = vector.broadcast %broadcast_in_dim3A_64 : f32 to vector<8x128xf32>
    %while3A = arith.subi %select_n3A_63, %select_n3A_37 : i32
    %while3A_66 = arith.addi %select_n3A_37, %while3A : i32
    %while3A_67 = arith.constant 1 : i32
    %while3A_68 = arith.divsi %while3A, %while3A_67 : i32
    %while3A_69 = arith.muli %while3A_68, %while3A_67 : i32
    %while3A_70 = arith.addi %select_n3A_37, %while3A_69 : i32
    %while3A_71 = arith.constant 1 : i32
    %while3A_72 = scf.for %while3A_81 = %select_n3A_37 to %while3A_70 step %while3A_71 iter_args(%while3A_82 = %broadcast_in_dim3A_65) -> (vector<8x128xf32>)  : i32 {
      %mul3A = arith.constant 8 : i32
      %mul3A_83 = arith.muli %while3A_81, %mul3A : i32
      %get3A_84 = arith.index_cast %mul3A_83 : i32 to index
      %get3A_85 = arith.constant 0 : index
      %get3A_86 = vector.load %arg2[%get3A_84, %get3A_85] : memref<10000x128xf32, #tpu.memory_space<vmem>>, vector<8x128xf32>
      %mul3A_87 = arith.constant 8 : i32
      %mul3A_88 = arith.muli %while3A_81, %mul3A_87 : i32
      %iota3A = tpu.iota {dimensions = array<i32: 0>} : vector<8x128xi32>
      %add3A_89 = vector.broadcast %mul3A_88 : i32 to vector<8x128xi32>
      %add3A_90 = arith.addi %add3A_89, %iota3A : vector<8x128xi32>
      %ge3A = vector.broadcast %reduce_sum3A_8 : i32 to vector<8x128xi32>
      %ge3A_91 = arith.cmpi sge, %add3A_90, %ge3A : vector<8x128xi32>
      %lt3A_92 = vector.broadcast %add3A : i32 to vector<8x128xi32>
      %lt3A_93 = arith.cmpi slt, %add3A_90, %lt3A_92 : vector<8x128xi32>
      %and3A_94 = arith.andi %ge3A_91, %lt3A_93 : vector<8x128xi1>
      %jit3A_95 = arith.constant 0xFF800000 : f32
      %broadcast_in_dim3A_96 = vector.broadcast %jit3A_95 : f32 to vector<8x128xf32>
      %select_n3A_97 = arith.select %and3A_94, %get3A_86, %broadcast_in_dim3A_96 : vector<8x128xi1>, vector<8x128xf32>
      %max3A = arith.maximumf %while3A_82, %select_n3A_97 : vector<8x128xf32>
      scf.yield %max3A : vector<8x128xf32>
    }
    %while3A_73 = arith.constant 1 : i32
    %while3A_74 = scf.for %while3A_81 = %while3A_70 to %while3A_66 step %while3A_73 iter_args(%while3A_82 = %while3A_72) -> (vector<8x128xf32>)  : i32 {
      %mul3A = arith.constant 8 : i32
      %mul3A_83 = arith.muli %while3A_81, %mul3A : i32
      %get3A_84 = arith.index_cast %mul3A_83 : i32 to index
      %get3A_85 = arith.constant 0 : index
      %get3A_86 = vector.load %arg2[%get3A_84, %get3A_85] : memref<10000x128xf32, #tpu.memory_space<vmem>>, vector<8x128xf32>
      %mul3A_87 = arith.constant 8 : i32
      %mul3A_88 = arith.muli %while3A_81, %mul3A_87 : i32
      %iota3A = tpu.iota {dimensions = array<i32: 0>} : vector<8x128xi32>
      %add3A_89 = vector.broadcast %mul3A_88 : i32 to vector<8x128xi32>
      %add3A_90 = arith.addi %add3A_89, %iota3A : vector<8x128xi32>
      %ge3A = vector.broadcast %reduce_sum3A_8 : i32 to vector<8x128xi32>
      %ge3A_91 = arith.cmpi sge, %add3A_90, %ge3A : vector<8x128xi32>
      %lt3A_92 = vector.broadcast %add3A : i32 to vector<8x128xi32>
      %lt3A_93 = arith.cmpi slt, %add3A_90, %lt3A_92 : vector<8x128xi32>
      %and3A_94 = arith.andi %ge3A_91, %lt3A_93 : vector<8x128xi1>
      %jit3A_95 = arith.constant 0xFF800000 : f32
      %broadcast_in_dim3A_96 = vector.broadcast %jit3A_95 : f32 to vector<8x128xf32>
      %select_n3A_97 = arith.select %and3A_94, %get3A_86, %broadcast_in_dim3A_96 : vector<8x128xi1>, vector<8x128xf32>
      %max3A = arith.maximumf %while3A_82, %select_n3A_97 : vector<8x128xf32>
      scf.yield %max3A : vector<8x128xf32>
    }
    %reduce_max3A = arith.constant dense<0xFF800000> : vector<128xf32>
    %reduce_max3A_75 = vector.multi_reduction <maximumf>, %while3A_74, %reduce_max3A [0] : vector<8x128xf32> to vector<128xf32>
    %broadcast_in_dim3A_76 = vector.shape_cast %reduce_max3A_75 : vector<128xf32> to vector<1x128xf32>
    %broadcast_in_dim3A_77 = vector.shape_cast %broadcast_in_dim3A_76 : vector<1x128xf32> to vector<1x1x128xf32>
    %swap3A = arith.constant 0 : index
    %swap3A_78 = arith.constant 0 : index
    %swap3A_79 = arith.constant 0 : index
    %swap3A_80 = vector.load %arg3[%swap3A, %swap3A_78, %swap3A_79] : memref<1x1x128xf32, #tpu.memory_space<vmem>>, vector<1x1x128xf32>
    tpu.vector_store %arg3[%swap3A, %swap3A_78, %swap3A_79], %broadcast_in_dim3A_77 {strides = array<i32>} : memref<1x1x128xf32, #tpu.memory_space<vmem>>, vector<1x1x128xf32>,
    return
  }
  func.func @transform_0(%arg0: i32) -> (i32, i32) {
    %c0_i32 = arith.constant 0 : i32
    %c0_i32_0 = arith.constant 0 : i32
    %c0_i32_1 = arith.constant 0 : i32
    return %c0_i32, %c0_i32_0 : i32, i32
  }
  func.func @transform_1(%arg0: i32) -> (i32, i32) {
    %c0_i32 = arith.constant 0 : i32
    %c0_i32_0 = arith.constant 0 : i32
    %c0_i32_1 = arith.constant 0 : i32
    return %c0_i32, %c0_i32_0 : i32, i32
  }
  func.func @transform_2(%arg0: i32) -> (i32, i32, i32) {
    %c0_i32 = arith.constant 0 : i32
    %c0_i32_0 = arith.constant 0 : i32
    %c0_i32_1 = arith.constant 0 : i32
    return %arg0, %c0_i32, %c0_i32_0 : i32, i32, i32
  }
}

module attributes {stable_mosaic.version = 14 : i64} {
  func.func @_head_body(%arg0: memref<128x128xf32, #tpu.memory_space<vmem>>, %arg1: memref<64x128xf32, #tpu.memory_space<vmem>>, %arg2: memref<1x64xf32, #tpu.memory_space<vmem>>, %arg3: memref<1x64xf32, #tpu.memory_space<vmem>>, %arg4: memref<1x64xf32, #tpu.memory_space<vmem>>, %arg5: memref<32x64xf32, #tpu.memory_space<vmem>>, %arg6: memref<1x32xf32, #tpu.memory_space<vmem>>, %arg7: memref<1x32xf32, #tpu.memory_space<vmem>>, %arg8: memref<1x32xf32, #tpu.memory_space<vmem>>, %arg9: memref<1x32xf32, #tpu.memory_space<vmem>>, %arg10: memref<1x1xf32, #tpu.memory_space<vmem>>, %arg11: memref<128x1xf32, #tpu.memory_space<vmem>>) attributes {dimension_semantics = [], scalar_prefetch = 0 : i64, scratch_operands = 0 : i64, tpu.core_type = #tpu.core_type<tc>} {
    %get3A = arith.constant 0 : index
    %get3A_0 = arith.constant 0 : index
    %get3A_1 = vector.load %arg0[%get3A, %get3A_0] : memref<128x128xf32, #tpu.memory_space<vmem>>, vector<128x128xf32>
    %get3A_2 = arith.constant 0 : index
    %get3A_3 = arith.constant 0 : index
    %get3A_4 = vector.load %arg1[%get3A_2, %get3A_3] : memref<64x128xf32, #tpu.memory_space<vmem>>, vector<64x128xf32>
    %dot_general3A = arith.constant dense<0.000000e+00> : vector<128x64xf32>
    %dot_general3A_5 = tpu.matmul %get3A_1, %get3A_4, %dot_general3A {dimension_numbers = #tpu.dot_dimension_numbers<[1], [1], [0], [0], [0, 0, 1, 0], [], []>, transpose_lhs_hint = false} : vector<128x128xf32>, vector<64x128xf32>, vector<128x64xf32> -> vector<128x64xf32>
    %get3A_6 = arith.constant 0 : index
    %get3A_7 = arith.constant 0 : index
    %get3A_8 = vector.load %arg2[%get3A_6, %get3A_7] : memref<1x64xf32, #tpu.memory_space<vmem>>, vector<1x64xf32>
    %add3A = vector.broadcast %get3A_8 : vector<1x64xf32> to vector<128x64xf32>
    %add3A_9 = arith.addf %dot_general3A_5, %add3A : vector<128x64xf32>
    %max3A = arith.constant 0.000000e+00 : f32
    %max3A_10 = vector.broadcast %max3A : f32 to vector<128x64xf32>
    %max3A_11 = arith.maximumf %add3A_9, %max3A_10 : vector<128x64xf32>
    %get3A_12 = arith.constant 0 : index
    %get3A_13 = arith.constant 0 : index
    %get3A_14 = vector.load %arg3[%get3A_12, %get3A_13] : memref<1x64xf32, #tpu.memory_space<vmem>>, vector<1x64xf32>
    %get3A_15 = arith.constant 0 : index
    %get3A_16 = arith.constant 0 : index
    %get3A_17 = vector.load %arg4[%get3A_15, %get3A_16] : memref<1x64xf32, #tpu.memory_space<vmem>>, vector<1x64xf32>
    %reduce_sum3A = arith.constant dense<0.000000e+00> : vector<64xf32>
    %reduce_sum3A_18 = vector.multi_reduction <add>, %max3A_11, %reduce_sum3A [0] : vector<128x64xf32> to vector<64xf32>
    %broadcast_in_dim3A = vector.shape_cast %reduce_sum3A_18 : vector<64xf32> to vector<1x64xf32>
    %div3A = arith.constant 1.280000e+02 : f32
    %div3A_19 = vector.broadcast %div3A : f32 to vector<1x64xf32>
    %div3A_20 = arith.divf %broadcast_in_dim3A, %div3A_19 : vector<1x64xf32>
    %mul3A = arith.mulf %max3A_11, %max3A_11 : vector<128x64xf32>
    %reduce_sum3A_21 = arith.constant dense<0.000000e+00> : vector<64xf32>
    %reduce_sum3A_22 = vector.multi_reduction <add>, %mul3A, %reduce_sum3A_21 [0] : vector<128x64xf32> to vector<64xf32>
    %broadcast_in_dim3A_23 = vector.shape_cast %reduce_sum3A_22 : vector<64xf32> to vector<1x64xf32>
    %div3A_24 = arith.constant 1.280000e+02 : f32
    %div3A_25 = vector.broadcast %div3A_24 : f32 to vector<1x64xf32>
    %div3A_26 = arith.divf %broadcast_in_dim3A_23, %div3A_25 : vector<1x64xf32>
    %mul3A_27 = arith.mulf %div3A_20, %div3A_20 : vector<1x64xf32>
    %sub3A = arith.subf %div3A_26, %mul3A_27 : vector<1x64xf32>
    %sub3A_28 = vector.broadcast %div3A_20 : vector<1x64xf32> to vector<128x64xf32>
    %sub3A_29 = arith.subf %max3A_11, %sub3A_28 : vector<128x64xf32>
    %mul3A_30 = vector.broadcast %get3A_14 : vector<1x64xf32> to vector<128x64xf32>
    %mul3A_31 = arith.mulf %mul3A_30, %sub3A_29 : vector<128x64xf32>
    %add3A_32 = arith.constant 9.99999974E-6 : f32
    %add3A_33 = vector.broadcast %add3A_32 : f32 to vector<1x64xf32>
    %add3A_34 = arith.addf %sub3A, %add3A_33 : vector<1x64xf32>
    %rsqrt3A = math.rsqrt %add3A_34 : vector<1x64xf32>
    %mul3A_35 = vector.broadcast %rsqrt3A : vector<1x64xf32> to vector<128x64xf32>
    %mul3A_36 = arith.mulf %mul3A_31, %mul3A_35 : vector<128x64xf32>
    %add3A_37 = vector.broadcast %get3A_17 : vector<1x64xf32> to vector<128x64xf32>
    %add3A_38 = arith.addf %mul3A_36, %add3A_37 : vector<128x64xf32>
    %get3A_39 = arith.constant 0 : index
    %get3A_40 = arith.constant 0 : index
    %get3A_41 = vector.load %arg5[%get3A_39, %get3A_40] : memref<32x64xf32, #tpu.memory_space<vmem>>, vector<32x64xf32>
    %dot_general3A_42 = arith.constant dense<0.000000e+00> : vector<128x32xf32>
    %dot_general3A_43 = tpu.matmul %add3A_38, %get3A_41, %dot_general3A_42 {dimension_numbers = #tpu.dot_dimension_numbers<[1], [1], [0], [0], [0, 0, 1, 0], [], []>, transpose_lhs_hint = false} : vector<128x64xf32>, vector<32x64xf32>, vector<128x32xf32> -> vector<128x32xf32>
    %get3A_44 = arith.constant 0 : index
    %get3A_45 = arith.constant 0 : index
    %get3A_46 = vector.load %arg6[%get3A_44, %get3A_45] : memref<1x32xf32, #tpu.memory_space<vmem>>, vector<1x32xf32>
    %add3A_47 = vector.broadcast %get3A_46 : vector<1x32xf32> to vector<128x32xf32>
    %add3A_48 = arith.addf %dot_general3A_43, %add3A_47 : vector<128x32xf32>
    %max3A_49 = arith.constant 0.000000e+00 : f32
    %max3A_50 = vector.broadcast %max3A_49 : f32 to vector<128x32xf32>
    %max3A_51 = arith.maximumf %add3A_48, %max3A_50 : vector<128x32xf32>
    %get3A_52 = arith.constant 0 : index
    %get3A_53 = arith.constant 0 : index
    %get3A_54 = vector.load %arg7[%get3A_52, %get3A_53] : memref<1x32xf32, #tpu.memory_space<vmem>>, vector<1x32xf32>
    %get3A_55 = arith.constant 0 : index
    %get3A_56 = arith.constant 0 : index
    %get3A_57 = vector.load %arg8[%get3A_55, %get3A_56] : memref<1x32xf32, #tpu.memory_space<vmem>>, vector<1x32xf32>
    %reduce_sum3A_58 = arith.constant dense<0.000000e+00> : vector<32xf32>
    %reduce_sum3A_59 = vector.multi_reduction <add>, %max3A_51, %reduce_sum3A_58 [0] : vector<128x32xf32> to vector<32xf32>
    %broadcast_in_dim3A_60 = vector.shape_cast %reduce_sum3A_59 : vector<32xf32> to vector<1x32xf32>
    %div3A_61 = arith.constant 1.280000e+02 : f32
    %div3A_62 = vector.broadcast %div3A_61 : f32 to vector<1x32xf32>
    %div3A_63 = arith.divf %broadcast_in_dim3A_60, %div3A_62 : vector<1x32xf32>
    %mul3A_64 = arith.mulf %max3A_51, %max3A_51 : vector<128x32xf32>
    %reduce_sum3A_65 = arith.constant dense<0.000000e+00> : vector<32xf32>
    %reduce_sum3A_66 = vector.multi_reduction <add>, %mul3A_64, %reduce_sum3A_65 [0] : vector<128x32xf32> to vector<32xf32>
    %broadcast_in_dim3A_67 = vector.shape_cast %reduce_sum3A_66 : vector<32xf32> to vector<1x32xf32>
    %div3A_68 = arith.constant 1.280000e+02 : f32
    %div3A_69 = vector.broadcast %div3A_68 : f32 to vector<1x32xf32>
    %div3A_70 = arith.divf %broadcast_in_dim3A_67, %div3A_69 : vector<1x32xf32>
    %mul3A_71 = arith.mulf %div3A_63, %div3A_63 : vector<1x32xf32>
    %sub3A_72 = arith.subf %div3A_70, %mul3A_71 : vector<1x32xf32>
    %sub3A_73 = vector.broadcast %div3A_63 : vector<1x32xf32> to vector<128x32xf32>
    %sub3A_74 = arith.subf %max3A_51, %sub3A_73 : vector<128x32xf32>
    %mul3A_75 = vector.broadcast %get3A_54 : vector<1x32xf32> to vector<128x32xf32>
    %mul3A_76 = arith.mulf %mul3A_75, %sub3A_74 : vector<128x32xf32>
    %add3A_77 = arith.constant 9.99999974E-6 : f32
    %add3A_78 = vector.broadcast %add3A_77 : f32 to vector<1x32xf32>
    %add3A_79 = arith.addf %sub3A_72, %add3A_78 : vector<1x32xf32>
    %rsqrt3A_80 = math.rsqrt %add3A_79 : vector<1x32xf32>
    %mul3A_81 = vector.broadcast %rsqrt3A_80 : vector<1x32xf32> to vector<128x32xf32>
    %mul3A_82 = arith.mulf %mul3A_76, %mul3A_81 : vector<128x32xf32>
    %add3A_83 = vector.broadcast %get3A_57 : vector<1x32xf32> to vector<128x32xf32>
    %add3A_84 = arith.addf %mul3A_82, %add3A_83 : vector<128x32xf32>
    %get3A_85 = arith.constant 0 : index
    %get3A_86 = arith.constant 0 : index
    %get3A_87 = vector.load %arg9[%get3A_85, %get3A_86] : memref<1x32xf32, #tpu.memory_space<vmem>>, vector<1x32xf32>
    %mul3A_88 = vector.broadcast %get3A_87 : vector<1x32xf32> to vector<128x32xf32>
    %mul3A_89 = arith.mulf %add3A_84, %mul3A_88 : vector<128x32xf32>
    %reduce_sum3A_90 = arith.constant dense<0.000000e+00> : vector<128xf32>
    %reduce_sum3A_91 = vector.multi_reduction <add>, %mul3A_89, %reduce_sum3A_90 [1] : vector<128x32xf32> to vector<128xf32>
    %broadcast_in_dim3A_92 = vector.shape_cast %reduce_sum3A_91 : vector<128xf32> to vector<128x1xf32>
    %get3A_93 = arith.constant 0 : index
    %get3A_94 = arith.constant 0 : index
    %get3A_95 = vector.load %arg10[%get3A_93, %get3A_94] : memref<1x1xf32, #tpu.memory_space<vmem>>, vector<1x1xf32>
    %get3A_96 = vector.extract %get3A_95[0, 0] : f32 from vector<1x1xf32>
    %add3A_97 = vector.broadcast %get3A_96 : f32 to vector<128x1xf32>
    %add3A_98 = arith.addf %broadcast_in_dim3A_92, %add3A_97 : vector<128x1xf32>
    %logistic3A = arith.negf %add3A_98 : vector<128x1xf32>
    %logistic3A_99 = math.exp %logistic3A : vector<128x1xf32>
    %logistic3A_100 = arith.constant 1.000000e+00 : f32
    %logistic3A_101 = vector.broadcast %logistic3A_100 : f32 to vector<128x1xf32>
    %logistic3A_102 = arith.addf %logistic3A_101, %logistic3A_99 : vector<128x1xf32>
    %logistic3A_103 = arith.divf %logistic3A_101, %logistic3A_102 : vector<128x1xf32>
    %swap3A = arith.constant 0 : index
    %swap3A_104 = arith.constant 0 : index
    %swap3A_105 = vector.load %arg11[%swap3A, %swap3A_104] : memref<128x1xf32, #tpu.memory_space<vmem>>, vector<128x1xf32>
    tpu.vector_store %arg11[%swap3A, %swap3A_104], %logistic3A_103 {strides = array<i32>} : memref<128x1xf32, #tpu.memory_space<vmem>>, vector<128x1xf32>,
    return
  }
}

</mosaic_0001>

<sc_bundles>
// kernel: kernel.11.cloned.1.call-start
scs
__scs_entry_jumppad:
0x0: {  	(pc) =	sbr.rel $0x88, $3  }
0x1: {  	(tag) =	ssettag $0x0;
	lr =	simm.s32 $0x1  }
0x2: {  	[smem:$0x3F74] =	sst lr;
	_ =	strace $0xD0000000  }
0x3: {  	_ = 	snop  }
0x4: {  	_ = 	snop  }
0x5: {  	_ = 	snop  }
0x6: {  	_ = 	snop  }
0x7: {  	_ = 	snop  }
__scs_overlays_trampoline_lowered:
0x8: {  	[smem:$0x3F83] =	sst s0  }
0x9: {  	[smem:$0x3F84] =	sst s1  }
0xa: {  	[smem:$0x3F85] =	sst s2  }
0xb: {  	[smem:$0x3F86] =	sst s3  }
0xc: {  	[smem:$0x3F87] =	sst s4  }
0xd: {  	[smem:$0x3F88] =	sst s5  }
0xe: {  	[smem:$0x3F89] =	sst s6  }
0xf: {  	[smem:$0x3F8A] =	sst s7  }
0x10: {  	[smem:$0x3F8B] =	sst s8  }
0x11: {  	[smem:$0x3F8C] =	sst s9;
	s0 =	simm.s32 @!p0 $0x0  }
0x12: {  	s1 =	sld [smem:$0x3F72];
	s0 =	simm.s32 @p0 $0x1  }
0x13: {  	[smem:$0x3F8D] =	sst s0;
	s0 =	simm.s32 @!p1 $0x0  }
0x14: {  	s2 =	sld [smem:$0x3F71];
	s0 =	simm.s32 @p1 $0x1  }
0x15: {  	[smem:$0x3F8E] =	sst s0;
	s0 =	simm.s32 @!p2 $0x0  }
0x16: {  	s3 =	sld [smem:$0x3FDB];
	s0 =	simm.s32 @p2 $0x1  }
0x17: {  	s4 =	simm.s32 $0x1BF5;
	[smem:$0x3F90] =	sst s0  }
0x18: {  	s0 =	sld [smem:$0x3F73];
	_ =	swait.ge [sflag:s4], $0x0  }
0x19: {  	s7 =	sld [smem:$0x3F74]  }
0x1a: {  	s8 =	sadd.s32 $0xFFFFE003, lr  }
0x1b: {  	s9 =	sadd.s32 $0xFFFFFEF7, lr;
	s5 =	simm.s32 $0xFFFFFFFF;
	p2 =	slt.u32 s8, $0xFFFFF086  }
0x1c: {  	p1 =	slt.u32 s9, $0xF7A;
	s5 =	simm.s32 @!p2 $0x0  }
0x1d: {  	s5 =	simm.s32 @p1 $0x1;
	p0 =	seq.s32 s7, s2  }
0x1e: {  	s7 =	smul.u32 @!p0 $0xF7A, s2;
	p2 =	seq.s32 @!p0 s5, $0x0  }
0x1f: {  	s9 =	smul.u32 $0xF7A, s1;
	s8 =	simm.s32 @!p0 $0x1BF5;
	p2 =	por !p2, p0  }
0x20: {  	[sflag:s8] =	ssyncset.s32 @!p0 $0xFFFFF086;
	s6 =	sadd.s32 @!p0 s3, s7;
	s7 =	simm.s32 @!p0 $0x108  }
0x21: {  	s3 =	sadd.s32 s3, s9;
	s6 =	sadd.s32 @!p0 $0x88, s6;
	s7 =	simm.s32 @p2 $0x1082  }
0x22: {  	[simem:s7], [sflag:s8] =	dma.local @!p0 [hbm:s6], $0xF7A  }
0x23: {  	s9 =	sor.u32 $0xD0000000, s2;
	s6 =	simm.s32 $0x108;
	_ =	swait.ge @!p0 [sflag:s8], $0x0  }
0x24: {  	s3 =	sadd.s32 $0x88, s3;
	s6 =	simm.s32 @!p1 $0x1082;
	[sflag:s4] =	ssyncset.s32 $0xFFFFF086  }
0x25: {  	[simem:s6], [sflag:s4] =	dma.local [hbm:s3], $0xF7A  }
0x26: {  	[smem:$0x3F74] =	sst s1;
	(tag) =	ssettag s2;
	_ =	strace s9  }
0x27: {  	s1 =	sld [smem:$0x3F84]  }
0x28: {  	s2 =	sld [smem:$0x3F85]  }
0x29: {  	s4 =	sld [smem:$0x3F87]  }
0x2a: {  	p0 =	seq.s32 s5, $0x0;
	s5 =	sld [smem:$0x3F88]  }
0x2b: {  	s6 =	sld [smem:$0x3F89]  }
0x2c: {  	s7 =	sld [smem:$0x3F8A]  }
0x2d: {  	s3 =	simm.s32 $0x108;
	s8 =	sld [smem:$0x3F8B]  }
0x2e: {  	s3 =	simm.s32 @!p0 $0x1082;
	s9 =	sld [smem:$0x3F8C]  }
0x2f: {  	lr =	sadd.s32 s0, s3;
	s0 =	sld [smem:$0x3F83]  }
0x30: {  	s3 =	sld [smem:$0x3F86]  }
0x31: {  	[smem:$0x3F8F] =	sst s10  }
0x32: {  	s10 =	sld [smem:$0x3F8D];
	_ =	sdelay $0x3  }
0x33: {  	p0 =	seq.s32 s10, $0x1;
	s10 =	sld [smem:$0x3F8F];
	_ =	sdelay $0x3  }
0x34: {  	[smem:$0x3F8F] =	sst s10  }
0x35: {  	s10 =	sld [smem:$0x3F8E];
	_ =	sdelay $0x3  }
0x36: {  	p1 =	seq.s32 s10, $0x1;
	s10 =	sld [smem:$0x3F8F];
	_ =	sdelay $0x3  }
0x37: {  	[smem:$0x3F8F] =	sst s10  }
0x38: {  	s10 =	sld [smem:$0x3F90]  }
0x39: {  	_ = 	snop;
	(pc) =	sbr.ind lr, $3  }
0x3a: {  	_ = 	snop  }
0x3b: {  	_ = 	snop  }
0x3c: {  	p2 =	seq.s32 s10, $0x1;
	s10 =	sld [smem:$0x3F8F]  }
0x3d: {  	_ =	shalt  }
0x3e: {  	_ =	shalt  }
0x3f: {  	_ =	shalt  }
0x40: {  	_ =	shalt  }
0x41: {  	_ =	shalt  }
0x42: {  	_ =	shalt  }
0x43: {  	_ =	shalt  }
0x44: {  	_ =	shalt  }
0x45: {  	_ =	shalt  }
0x46: {  	_ =	shalt  }
0x47: {  	_ =	shalt  }
0x48: {  	_ =	shalt  }
0x49: {  	_ =	shalt  }
0x4a: {  	_ =	shalt  }
0x4b: {  	_ =	shalt  }
0x4c: {  	_ =	shalt  }
0x4d: {  	_ =	shalt  }
0x4e: {  	_ =	shalt  }
0x4f: {  	_ =	shalt  }
0x50: {  	_ =	shalt  }
0x51: {  	_ =	shalt  }
0x52: {  	_ =	shalt  }
0x53: {  	_ =	shalt  }
0x54: {  	_ =	shalt  }
0x55: {  	_ =	shalt  }
0x56: {  	_ =	shalt  }
0x57: {  	_ =	shalt  }
0x58: {  	_ =	shalt  }
0x59: {  	_ =	shalt  }
0x5a: {  	_ =	shalt  }
0x5b: {  	_ =	shalt  }
0x5c: {  	_ =	shalt  }
0x5d: {  	_ =	shalt  }
0x5e: {  	_ =	shalt  }
0x5f: {  	_ =	shalt  }
0x60: {  	_ =	shalt  }
0x61: {  	_ =	shalt  }
0x62: {  	_ =	shalt  }
0x63: {  	_ =	shalt  }
0x64: {  	_ =	shalt  }
0x65: {  	_ =	shalt  }
0x66: {  	_ =	shalt  }
0x67: {  	_ =	shalt  }
0x68: {  	_ =	shalt  }
0x69: {  	_ =	shalt  }
0x6a: {  	_ =	shalt  }
0x6b: {  	_ =	shalt  }
0x6c: {  	_ =	shalt  }
0x6d: {  	_ =	shalt  }
0x6e: {  	_ =	shalt  }
0x6f: {  	_ =	shalt  }
0x70: {  	_ =	shalt  }
0x71: {  	_ =	shalt  }
0x72: {  	_ =	shalt  }
0x73: {  	_ =	shalt  }
0x74: {  	_ =	shalt  }
0x75: {  	_ =	shalt  }
0x76: {  	_ =	shalt  }
0x77: {  	_ =	shalt  }
0x78: {  	_ =	shalt  }
0x79: {  	_ =	shalt  }
0x7a: {  	_ =	shalt  }
0x7b: {  	_ =	shalt  }
0x7c: {  	_ =	shalt  }
0x7d: {  	_ =	shalt  }
0x7e: {  	_ =	shalt  }
0x7f: {  	_ =	shalt  }
0x80: {  	_ =	shalt  }
0x81: {  	_ =	shalt  }
0x82: {  	_ =	shalt  }
0x83: {  	_ =	shalt  }
0x84: {  	_ =	shalt  }
0x85: {  	_ =	shalt  }
0x86: {  	_ =	shalt  }
0x87: {  	_ =	shalt  }
.Lfunc_end0:
.L_simem_size_0:
called_computation_lowered:
.L_overlay_start_0:
0x88: {  	s2 =	sld [smem:$0x3FD9]  }
0x89: {  	s3 =	sld [smem:$0x3FFE];
	_ =	sdelay $0x1  }
0x8a: {  	s1 =	srdreg.scid  }
0x8b: {  	s0 =	sand.u32 $0x1, s1  }
0x8c: {  	s16 =	sshll.u32 s0, $0xA;
	s2 =	sadd.s32 s3, s2  }
0x8d: {  	s2 =	sadd.s32 s2, s16  }
0x8e: {  	[smem:$0x3F9B] =	sst s2  }
0x8f: {  	_ = 	snop  }
0x90: {  	(tm) =	ssettm $0x1  }
0x91: {  	s17 =	sld [smem:$0x3FFB];
	_ =	sdelay $0x3  }
0x92: {  	_ =	strace s17  }
0x93: {  	s2 =	sld [smem:$0x3FFC];
	_ =	sdelay $0x3  }
0x94: {  	_ =	strace s2  }
0x95: {  	s2 =	sld [smem:$0x3FFD];
	_ =	sdelay $0x3  }
0x96: {  	_ =	strace s2  }
0x97: {  	_ =	strace $0x8FFFFFFF  }
0x98: {  	s18 =	sld [smem:$0x3FDB];
	_ =	sdelay $0x1  }
0x99: {  	s19 =	simm.s32 $_scs_section_size  }
0x9a: {  	s4 =	simm.s32 $_size__tile_overlayer_lowered;
	s5 =	simm.s32 $_tile_overlayer_lowered  }
0x9b: {  	s22 =	simm.s32 $0x1BFF;
	s21 =	sshll.u32 s5, $0x1;
	s2 =	sadd.s32 s19, s18  }
0x9c: {  	s6 =	simm.s32 $0x0;
	s20 =	sshll.u32 s4, $0x1;
	s4 =	sadd.s32 s21, s2  }
0x9d: {  	[timem:s6], [sflag:s22] =	dma.local [hbm:s4], s20  }
0x9e: {  	_ =	swait.ge [sflag:s22], s20  }
0x9f: {  	s3 =	ssub.s32 $0x0, s20;
	[sflag:s22] =	ssyncset.done $0x0  }
0xa0: {  	[sflag:s22] =	ssyncadd.s32 s3;
	_ =	sdelay $0x1  }
0xa1: {  	s23 =	simm.s32 $0x1B8B  }
0xa2: {  	_ =	swait.ge [sflag:s23], $0x1  }
0xa3: {  	[sflag:s23] =	ssyncset.done $0x0  }
0xa4: {  	s25 =	simm.s32 $0x1B8E;
	s24 =	sld [smem:$0x3FFE];
	[sflag:s23] =	ssyncadd.s32 $0xFFFFFFFF  }
0xa5: {  	s26 =	simm.s32 $execute0_lowered;
	[smem:$0x3FD2] =	sst s25  }
0xa6: {  	s4 =	sshll.u32 s26, $0x1;
	_ =	strace $0x80000046;
	[dreg:$0x1] =	wrdreg $0xFFFFFFFF  }
0xa7: {  	s28 =	simm.s32 $_size_execute0_lowered;
	s2 =	sadd.s32 s2, s4;
	[dreg:$0x0] =	wrdreg $0x0  }
0xa8: {  	s4 =	sshll.u32 s28, $0x1;
	[dreg:$0x2] =	wrdreg s2  }
0xa9: {  	[dreg:$0x3] =	wrdreg s4  }
0xaa: {  	[dreg:$0x4] =	wrdreg $0xC0  }
0xab: {  	_ =	task [dreg:s6], $0x5FFFF  }
0xac: {  	[dreg:$0x1] =	wrdreg $0xFFFFFFFF  }
0xad: {  	[dreg:$0x0] =	wrdreg $0x60  }
0xae: {  	[dreg:$0x2] =	wrdreg s24  }
0xaf: {  	[dreg:$0x3] =	wrdreg $0x29000  }
0xb0: {  	[dreg:$0x4] =	wrdreg $0x9  }
0xb1: {  	_ =	task.clear_ibuf [dreg:s6], $0x5FFFF;
	_ =	strace $0x90000046  }
0xb2: {  	s29 =	simm.s32 $0x9;
	_ =	strace $0x80000048  }
0xb3: {  	_ =	swait.ge [sflag:s29], $0x1  }
0xb4: {  	[sflag:s29] =	ssyncadd.s32 $0xFFFFFFFF  }
0xb5: {  	_ =	strace $0x90000048  }
0xb6: {  	_ =	sfence  }
0xb7: {  	s30 =	sld [smem:$0x0];
	_ =	sdelay $0x2  }
0xb8: {  	s31 =	sshll.u32 s1, $0xD;
	s1 =	sshrl.u32 s1, $0x2  }
0xb9: {  	s3 =	sand.u32 $0x4000, s31;
	s1 =	sadd.s32 s1, s30  }
0xba: {  	s0 =	sor.u32 s3, s0;
	s1 =	sshll.u32 s1, $0x11  }
0xbb: {  	s0 =	sor.u32 s1, s0  }
0xbc: {  	s0 =	sadd.s32 $0x8F2B, s0  }
0xbd: {  	[sflag:s0] =	ssyncadd.remote.s32 $0x1  }
0xbe: {  	_ =	sfence.sel $0xFFFF  }
0xbf: {  	[dreg:$0x0] =	wrdreg $0xFFFFFFFF;
	(pc) =	sbr.abs _section_cstart, $3  }
0xc0: {  	[dreg:$0x1] =	wrdreg $0xFFFFFFFF  }
0xc1: {  	_ =	task.clear_ibuf [dreg:s6], $0x2FFFF;
	_ =	strace $0x9FFFFFFF  }
0xc2: {  	(tm) =	ssettm $0x7FFFFFFF  }
0xc3: {  	_ =	shalt  }
tec
execute0_lowered:
.L_overlay_start_1:
0x0: {  	(tag) =	ssettag $0x1  }
0x1: {  	s7 =	rddreg [dreg:$0x0]  }
0x2: {  	s2 =	rddreg [dreg:$0x1]  }
0x3: {  	s0 =	srdreg.scid;
	s1 =	rddreg [dreg:$0x2]  }
0x4: {  	s3 =	simm.s32 $0x0;
	s16 =	simm.s32 $0x80;
	s5 =	sand.u32 $0x1, s0  }
0x5: {  	s17 =	simm.s32 $0x50;
	s0 =	stileid.u32;
	s4 =	smul.u32 $0x27100, s5  }
0x6: {  	s18 =	simm.s32 $0x100;
	s19 =	simm.s32 $0x1;
	s6 =	smul.u32 $0x2710, s0  }
0x7: {  	s20 =	simm.s32 $0x0;
	[smem:$0x7FF] =	sst s3;
	s8 =	smul.u32 $0x13800, s0  }
0x8: {  	s11 =	sadd.s32 $0x69E00, s7;
	s15 =	sadd.s32 $0x138000, s2;
	s10 =	smul.u32 $0x4E000, s0  }
0x9: {  	_ =	strace $0x80000047;
	s9 =	ssub.s32 $0x2, s5;
	s29 =	smul.u32 $0x138800, s5  }
0xa: {  	s30 =	sshll.u32 s0, $0x6;
	p0 =	sne.s32 s0, $0xF;
	s13 =	sshrl.u32 s9, $0x1  }
0xb: {  	s15 =	sshrl.u32 @!p0 s15, $0x3;
	s4 =	sadd.s32 s6, s4;
	s26 =	sshrl.u32 s8, $0x3  }
0xc: {  	s13 =	ssub.s32 s9, s13;
	s28 =	sshrl.u32 s10, $0x2;
	s8 =	sadd.s32 s8, s29  }
0xd: {  	s31 =	sshrl.u32 s29, $0x3;
	s4 =	sshrl.u32 s4, $0x3;
	s6 =	sadd.s32 s26, s7  }
0xe: {  	s14 =	sadd.s32 s28, s2;
	s8 =	sshrl.u32 s8, $0x3;
	s9 =	sadd.s32 s11, s31  }
0xf: {  	s10 =	smax.u32 s13, $0x1;
	s12 =	sadd.s32 s4, s7;
	s4 =	sadd.s32 $0x1BA00, s7  }
0x10: {  	s5 =	sadd.s32 $0x42C00, s6;
	s6 =	sor.u32 $0x1C02, s30;
	s7 =	sadd.s32 $0x69C00, s7  }
0x11: {  	s8 =	sadd.s32 s11, s8;
	s9 =	sadd.s32 $0x27000, s9;
	s13 =	sshrl.u32 s14, $0x3  }
0x12: {  	s14 =	simm.s32 $0x2;
	s11 =	sadd.s32 $0x7E00, s12;
	s12 =	sadd.s32 $0x11C00, s12  }
.LBB2_1:
0x13: {  	[spmem:s13], [sflag:s6] =	dma.local [hbm:s5], $0x2700  }
0x14: {  	_ =	swait.ge [sflag:s14], $0x2700  }
0x15: {  	[sflag:s14] =	ssyncset.done $0x0  }
0x16: {  	s21 =	simm.s32 @!p0 $0x2;
	[sflag:s14] =	ssyncadd.s32 $0xFFFFD900  }
0x17: {  	[spmem:s15], [sflag:s6] =	dma.local @!p0 [hbm:s7], $0x100  }
0x18: {  	_ =	swait.ge @!p0 [sflag:s21], $0x100  }
0x19: {  	[sflag:s21] =	ssyncset.done @!p0 $0x0  }
0x1a: {  	[sflag:s21] =	ssyncadd.s32 @!p0 $0xFFFFFF00  }
0x1b: {  	s30 =	sadd.s32 $0x0, s12;
	[bflag:$0x0] =	sbarrier.arrive $0xFFFF  }
0x1c: {  	[tilespmem:s3], [sflag:$0x2] =	stream.linear.gather [hbm4b:s30+s3], $0x50, $0x38;
	[tilespmem:$0x16180] =	vst v63  }
0x1d: {  	_ =	swait.ge [sflag:s14], $0x50  }
0x1e: {  	[sflag:s14] =	ssyncset.done $0x0  }
0x1f: {  	s31 =	sadd.s32 $0x0, s11;
	[sflag:s14] =	ssyncadd.s32 $0xFFFFFFB0  }
0x20: {  	[tilespmem:s16], [sflag:$0x2] =	stream.linear.gather [hbm4b:s31+s3], $0x50, $0x38;
	[tilespmem:$0x16180] =	vst v63  }
0x21: {  	_ =	swait.ge [sflag:s14], $0x50  }
0x22: {  	[sflag:s14] =	ssyncset.done $0x0  }
0x23: {  	[sflag:s14] =	ssyncadd.s32 $0xFFFFFFB0  }
0x24: {  	[tilespmem:s18], [sflag:$0x1] =	stream.indirect.gather [hbm4b:s4+s17], $0x80, s3, s17, $0xb8;
	[tilespmem:$0x16180] =	vst v63  }
0x25: {  	_ =	swait.ge [sflag:s19], $0x2800  }
0x26: {  	[sflag:s19] =	ssyncset.done $0x0  }
0x27: {  	[sflag:s19] =	ssyncadd.s32 $0xFFFFD800  }
0x28: {  	[spmem:s2] =	stream.indirect.scatter.add.f32 [tilespmem:s18], [sflag:$0x2], $0x80, s16, s17, $0xb8;
	[tilespmem:$0x16180] =	vst v63  }
0x29: {  	_ =	swait.ge [sflag:s14], $0x2800  }
0x2a: {  	s22 =	simm.s32 $0x14;
	s21 =	simm.s32 $0xA;
	[sflag:s14] =	ssyncset.done $0x0  }
.LBB2_2:
0x2b: {  	s23 =	sadd.s32 s21, s12  }
0x2c: {  	[sflag:s14] =	ssyncadd.s32 $0xFFFFD800;
	s24 =	smov.u32 s22;
	s25 =	sadd.s32 $0xA, s22  }
0x2d: {  	[tilespmem:s3], [sflag:$0x2] =	stream.linear.gather [hbm4b:s23+s3], $0x50, $0x38;
	[tilespmem:$0x16180] =	vst v63  }
0x2e: {  	p1 =	sne.s32 s22, $0x4D8;
	_ =	swait.ge [sflag:s14], $0x50  }
0x2f: {  	[sflag:s14] =	ssyncset.done $0x0  }
0x30: {  	s22 =	sadd.s32 s21, s11;
	s21 =	smov.u32 s24;
	[sflag:s14] =	ssyncadd.s32 $0xFFFFFFB0  }
0x31: {  	[tilespmem:s16], [sflag:$0x2] =	stream.linear.gather [hbm4b:s22+s3], $0x50, $0x38;
	[tilespmem:$0x16180] =	vst v63  }
0x32: {  	_ =	swait.ge [sflag:s14], $0x50  }
0x33: {  	[sflag:s14] =	ssyncset.done $0x0  }
0x34: {  	[sflag:s14] =	ssyncadd.s32 $0xFFFFFFB0  }
0x35: {  	[tilespmem:s18], [sflag:$0x1] =	stream.indirect.gather [hbm4b:s4+s17], $0x80, s3, s17, $0xb8;
	[tilespmem:$0x16180] =	vst v63  }
0x36: {  	_ =	swait.ge [sflag:s19], $0x2800  }
.Ltmp0:
0x37: {  	[sflag:s19] =	ssyncset.done $0x0;
	(pc) =	sbr.rel @p1 .LBB2_2-.Ltmp0, $4  }
0x38: {  	[sflag:s19] =	ssyncadd.s32 $0xFFFFD800  }
0x39: {  	[spmem:s2] =	stream.indirect.scatter.add.f32 [tilespmem:s18], [sflag:$0x2], $0x80, s16, s17, $0xb8;
	[tilespmem:$0x16180] =	vst v63  }
0x3a: {  	_ =	swait.ge [sflag:s14], $0x2800  }
0x3b: {  	s22 =	smov.u32 s25;
	[sflag:s14] =	ssyncset.done $0x0  }
0x3c: {  	s22 =	sadd.s32 s21, s12;
	[sflag:s14] =	ssyncadd.s32 $0xFFFFD800  }
0x3d: {  	[tilespmem:s3], [sflag:$0x2] =	stream.linear.gather [hbm4b:s22+s3], $0x50, $0x38;
	[tilespmem:$0x16180] =	vst v63  }
0x3e: {  	_ =	swait.ge [sflag:s14], $0x50  }
0x3f: {  	[sflag:s14] =	ssyncset.done $0x0  }
0x40: {  	s31 =	sadd.s32 s21, s11;
	[sflag:s14] =	ssyncadd.s32 $0xFFFFFFB0  }
0x41: {  	[tilespmem:s16], [sflag:$0x2] =	stream.linear.gather [hbm4b:s31+s3], $0x50, $0x38;
	[tilespmem:$0x16180] =	vst v63  }
0x42: {  	_ =	swait.ge [sflag:s14], $0x50  }
0x43: {  	[sflag:s14] =	ssyncset.done $0x0  }
0x44: {  	[sflag:s14] =	ssyncadd.s32 $0xFFFFFFB0  }
0x45: {  	[tilespmem:s18], [sflag:$0x1] =	stream.indirect.gather [hbm4b:s4+s17], $0x80, s3, s17, $0xb8;
	[tilespmem:$0x16180] =	vst v63  }
0x46: {  	_ =	swait.ge [sflag:s19], $0x2800  }
0x47: {  	[sflag:s19] =	ssyncset.done $0x0  }
0x48: {  	[sflag:s19] =	ssyncadd.s32 $0xFFFFD800  }
0x49: {  	[spmem:s2] =	stream.indirect.scatter.add.f32 [tilespmem:s18], [sflag:$0x2], $0x80, s16, s17, $0xb8;
	[tilespmem:$0x16180] =	vst v63  }
0x4a: {  	_ =	swait.ge [sflag:s14], $0x2800  }
0x4b: {  	[sflag:s14] =	ssyncset.done $0x0  }
0x4c: {  	[sflag:s14] =	ssyncadd.s32 $0xFFFFD800  }
0x4d: {  	[bflag:$0x0] =	sbarrier.arrive $0xFFFF  }
0x4e: {  	[hbm:s8], [sflag:s6] =	dma.local [spmem:s13], $0x2700  }
0x4f: {  	s20 =	sadd.s32 $0x1, s20;
	_ =	swait.ge [sflag:s14], $0x2700  }
0x50: {  	p1 =	sne.s32 s20, s10;
	[sflag:s14] =	ssyncset.done $0x0  }
.Ltmp1:
0x51: {  	s21 =	simm.s32 @!p0 $0x2;
	[sflag:s14] =	ssyncadd.s32 $0xFFFFD900;
	(pc) =	sbr.rel @p1 .LBB2_1-.Ltmp1, $4  }
0x52: {  	[hbm:s9], [sflag:s6] =	dma.local @!p0 [spmem:s15], $0x100  }
0x53: {  	_ =	swait.ge @!p0 [sflag:s21], $0x100  }
0x54: {  	[sflag:s21] =	ssyncset.done @!p0 $0x0  }
0x55: {  	[sflag:s21] =	ssyncadd.s32 @!p0 $0xFFFFFF00  }
0x56: {  	_ =	sfence.sel $0x180000  }
0x57: {  	[bflag:$0x0] =	sbarrier.arrive $0xFFFF  }
0x58: {  	p0 =	sne.s32 s0, $0x0;
	_ =	strace $0x90000047  }
0x59: {  	s0 =	sadd.s32 @!p0 $0x100000, s1;
	[bflag:$0x2] =	sbarrier.arrive $0xFFFF  }
0x5a: {  	[sflag:s0] =	ssyncadd.tile.s32 @!p0 $0x1;
	_ =	shalt  }
.Lfunc_end2:
_tile_overlayer_lowered:
.L_overlay_start_2:
0x5b: {  	(tag) =	ssettag $0x2  }
0x5c: {  	s0 =	rddreg [dreg:$0x0];
	s2 =	stileid.u32  }
0x5d: {  	s1 =	rddreg [dreg:$0x1];
	p0 =	sne.s32 s2, $0x0  }
0x5e: {  	s3 =	rddreg [dreg:$0x2];
	[bflag:$0x3] =	sbarrier.arrive $0xFFFF;
	s2 =	simm.s32 @!p0 $0x1C02  }
0x5f: {  	[timem:s3], [sflag:s2] =	dma.local @!p0 [hbm:s0], s1  }
0x60: {  	s0 =	simm.s32 @!p0 $0x2  }
0x61: {  	_ =	swait.ge @!p0 [sflag:s0], s1  }
0x62: {  	s1 =	ssub.s32 @!p0 $0x0, s1;
	[sflag:s0] =	ssyncset.done @!p0 $0x0  }
0x63: {  	[sflag:s0] =	ssyncadd.s32 @!p0 s1  }
0x64: {  	[bflag:$0x3] =	sbarrier.arrive $0xFFFF  }
0x65: {  	_ =	shalt  }

// kernel: kernel.14.cloned.1.call-start
scs
__scs_entry_jumppad:
0x0: {  	(pc) =	sbr.rel $0x88, $3  }
0x1: {  	(tag) =	ssettag $0x0;
	lr =	simm.s32 $0x1  }
0x2: {  	[smem:$0x3F74] =	sst lr;
	_ =	strace $0xD0000000  }
0x3: {  	_ = 	snop  }
0x4: {  	_ = 	snop  }
0x5: {  	_ = 	snop  }
0x6: {  	_ = 	snop  }
0x7: {  	_ = 	snop  }
__scs_overlays_trampoline_lowered:
0x8: {  	[smem:$0x3F83] =	sst s0  }
0x9: {  	[smem:$0x3F84] =	sst s1  }
0xa: {  	[smem:$0x3F85] =	sst s2  }
0xb: {  	[smem:$0x3F86] =	sst s3  }
0xc: {  	[smem:$0x3F87] =	sst s4  }
0xd: {  	[smem:$0x3F88] =	sst s5  }
0xe: {  	[smem:$0x3F89] =	sst s6  }
0xf: {  	[smem:$0x3F8A] =	sst s7  }
0x10: {  	[smem:$0x3F8B] =	sst s8  }
0x11: {  	[smem:$0x3F8C] =	sst s9;
	s0 =	simm.s32 @!p0 $0x0  }
0x12: {  	s1 =	sld [smem:$0x3F72];
	s0 =	simm.s32 @p0 $0x1  }
0x13: {  	[smem:$0x3F8D] =	sst s0;
	s0 =	simm.s32 @!p1 $0x0  }
0x14: {  	s2 =	sld [smem:$0x3F71];
	s0 =	simm.s32 @p1 $0x1  }
0x15: {  	[smem:$0x3F8E] =	sst s0;
	s0 =	simm.s32 @!p2 $0x0  }
0x16: {  	s3 =	sld [smem:$0x3FDB];
	s0 =	simm.s32 @p2 $0x1  }
0x17: {  	s4 =	simm.s32 $0x1BF5;
	[smem:$0x3F90] =	sst s0  }
0x18: {  	s0 =	sld [smem:$0x3F73];
	_ =	swait.ge [sflag:s4], $0x0  }
0x19: {  	s7 =	sld [smem:$0x3F74]  }
0x1a: {  	s8 =	sadd.s32 $0xFFFFE003, lr  }
0x1b: {  	s9 =	sadd.s32 $0xFFFFFEF7, lr;
	s5 =	simm.s32 $0xFFFFFFFF;
	p2 =	slt.u32 s8, $0xFFFFF086  }
0x1c: {  	p1 =	slt.u32 s9, $0xF7A;
	s5 =	simm.s32 @!p2 $0x0  }
0x1d: {  	s5 =	simm.s32 @p1 $0x1;
	p0 =	seq.s32 s7, s2  }
0x1e: {  	s7 =	smul.u32 @!p0 $0xF7A, s2;
	p2 =	seq.s32 @!p0 s5, $0x0  }
0x1f: {  	s9 =	smul.u32 $0xF7A, s1;
	s8 =	simm.s32 @!p0 $0x1BF5;
	p2 =	por !p2, p0  }
0x20: {  	[sflag:s8] =	ssyncset.s32 @!p0 $0xFFFFF086;
	s6 =	sadd.s32 @!p0 s3, s7;
	s7 =	simm.s32 @!p0 $0x108  }
0x21: {  	s3 =	sadd.s32 s3, s9;
	s6 =	sadd.s32 @!p0 $0x88, s6;
	s7 =	simm.s32 @p2 $0x1082  }
0x22: {  	[simem:s7], [sflag:s8] =	dma.local @!p0 [hbm:s6], $0xF7A  }
0x23: {  	s9 =	sor.u32 $0xD0000000, s2;
	s6 =	simm.s32 $0x108;
	_ =	swait.ge @!p0 [sflag:s8], $0x0  }
0x24: {  	s3 =	sadd.s32 $0x88, s3;
	s6 =	simm.s32 @!p1 $0x1082;
	[sflag:s4] =	ssyncset.s32 $0xFFFFF086  }
0x25: {  	[simem:s6], [sflag:s4] =	dma.local [hbm:s3], $0xF7A  }
0x26: {  	[smem:$0x3F74] =	sst s1;
	(tag) =	ssettag s2;
	_ =	strace s9  }
0x27: {  	s1 =	sld [smem:$0x3F84]  }
0x28: {  	s2 =	sld [smem:$0x3F85]  }
0x29: {  	s4 =	sld [smem:$0x3F87]  }
0x2a: {  	p0 =	seq.s32 s5, $0x0;
	s5 =	sld [smem:$0x3F88]  }
0x2b: {  	s6 =	sld [smem:$0x3F89]  }
0x2c: {  	s7 =	sld [smem:$0x3F8A]  }
0x2d: {  	s3 =	simm.s32 $0x108;
	s8 =	sld [smem:$0x3F8B]  }
0x2e: {  	s3 =	simm.s32 @!p0 $0x1082;
	s9 =	sld [smem:$0x3F8C]  }
0x2f: {  	lr =	sadd.s32 s0, s3;
	s0 =	sld [smem:$0x3F83]  }
0x30: {  	s3 =	sld [smem:$0x3F86]  }
0x31: {  	[smem:$0x3F8F] =	sst s10  }
0x32: {  	s10 =	sld [smem:$0x3F8D];
	_ =	sdelay $0x3  }
0x33: {  	p0 =	seq.s32 s10, $0x1;
	s10 =	sld [smem:$0x3F8F];
	_ =	sdelay $0x3  }
0x34: {  	[smem:$0x3F8F] =	sst s10  }
0x35: {  	s10 =	sld [smem:$0x3F8E];
	_ =	sdelay $0x3  }
0x36: {  	p1 =	seq.s32 s10, $0x1;
	s10 =	sld [smem:$0x3F8F];
	_ =	sdelay $0x3  }
0x37: {  	[smem:$0x3F8F] =	sst s10  }
0x38: {  	s10 =	sld [smem:$0x3F90]  }
0x39: {  	_ = 	snop;
	(pc) =	sbr.ind lr, $3  }
0x3a: {  	_ = 	snop  }
0x3b: {  	_ = 	snop  }
0x3c: {  	p2 =	seq.s32 s10, $0x1;
	s10 =	sld [smem:$0x3F8F]  }
0x3d: {  	_ =	shalt  }
0x3e: {  	_ =	shalt  }
0x3f: {  	_ =	shalt  }
0x40: {  	_ =	shalt  }
0x41: {  	_ =	shalt  }
0x42: {  	_ =	shalt  }
0x43: {  	_ =	shalt  }
0x44: {  	_ =	shalt  }
0x45: {  	_ =	shalt  }
0x46: {  	_ =	shalt  }
0x47: {  	_ =	shalt  }
0x48: {  	_ =	shalt  }
0x49: {  	_ =	shalt  }
0x4a: {  	_ =	shalt  }
0x4b: {  	_ =	shalt  }
0x4c: {  	_ =	shalt  }
0x4d: {  	_ =	shalt  }
0x4e: {  	_ =	shalt  }
0x4f: {  	_ =	shalt  }
0x50: {  	_ =	shalt  }
0x51: {  	_ =	shalt  }
0x52: {  	_ =	shalt  }
0x53: {  	_ =	shalt  }
0x54: {  	_ =	shalt  }
0x55: {  	_ =	shalt  }
0x56: {  	_ =	shalt  }
0x57: {  	_ =	shalt  }
0x58: {  	_ =	shalt  }
0x59: {  	_ =	shalt  }
0x5a: {  	_ =	shalt  }
0x5b: {  	_ =	shalt  }
0x5c: {  	_ =	shalt  }
0x5d: {  	_ =	shalt  }
0x5e: {  	_ =	shalt  }
0x5f: {  	_ =	shalt  }
0x60: {  	_ =	shalt  }
0x61: {  	_ =	shalt  }
0x62: {  	_ =	shalt  }
0x63: {  	_ =	shalt  }
0x64: {  	_ =	shalt  }
0x65: {  	_ =	shalt  }
0x66: {  	_ =	shalt  }
0x67: {  	_ =	shalt  }
0x68: {  	_ =	shalt  }
0x69: {  	_ =	shalt  }
0x6a: {  	_ =	shalt  }
0x6b: {  	_ =	shalt  }
0x6c: {  	_ =	shalt  }
0x6d: {  	_ =	shalt  }
0x6e: {  	_ =	shalt  }
0x6f: {  	_ =	shalt  }
0x70: {  	_ =	shalt  }
0x71: {  	_ =	shalt  }
0x72: {  	_ =	shalt  }
0x73: {  	_ =	shalt  }
0x74: {  	_ =	shalt  }
0x75: {  	_ =	shalt  }
0x76: {  	_ =	shalt  }
0x77: {  	_ =	shalt  }
0x78: {  	_ =	shalt  }
0x79: {  	_ =	shalt  }
0x7a: {  	_ =	shalt  }
0x7b: {  	_ =	shalt  }
0x7c: {  	_ =	shalt  }
0x7d: {  	_ =	shalt  }
0x7e: {  	_ =	shalt  }
0x7f: {  	_ =	shalt  }
0x80: {  	_ =	shalt  }
0x81: {  	_ =	shalt  }
0x82: {  	_ =	shalt  }
0x83: {  	_ =	shalt  }
0x84: {  	_ =	shalt  }
0x85: {  	_ =	shalt  }
0x86: {  	_ =	shalt  }
0x87: {  	_ =	shalt  }
.Lfunc_end0:
.L_simem_size_0:
called_computation.1_lowered:
.L_overlay_start_0:
0x88: {  	s2 =	sld [smem:$0x3FD9]  }
0x89: {  	s3 =	sld [smem:$0x3FFE];
	_ =	sdelay $0x1  }
0x8a: {  	s1 =	srdreg.scid  }
0x8b: {  	s0 =	sand.u32 $0x1, s1  }
0x8c: {  	s16 =	sshll.u32 s0, $0xA;
	s2 =	sadd.s32 s3, s2  }
0x8d: {  	s2 =	sadd.s32 s2, s16  }
0x8e: {  	[smem:$0x3F9B] =	sst s2  }
0x8f: {  	_ = 	snop  }
0x90: {  	(tm) =	ssettm $0x1  }
0x91: {  	s17 =	sld [smem:$0x3FFB];
	_ =	sdelay $0x3  }
0x92: {  	_ =	strace s17  }
0x93: {  	s2 =	sld [smem:$0x3FFC];
	_ =	sdelay $0x3  }
0x94: {  	_ =	strace s2  }
0x95: {  	s2 =	sld [smem:$0x3FFD];
	_ =	sdelay $0x3  }
0x96: {  	_ =	strace s2  }
0x97: {  	_ =	strace $0x8FFFFFFF  }
0x98: {  	s18 =	sld [smem:$0x3FDB];
	_ =	sdelay $0x1  }
0x99: {  	s19 =	simm.s32 $_scs_section_size  }
0x9a: {  	s4 =	simm.s32 $_size__tile_overlayer_lowered;
	s5 =	simm.s32 $_tile_overlayer_lowered  }
0x9b: {  	s22 =	simm.s32 $0x1BFF;
	s21 =	sshll.u32 s5, $0x1;
	s2 =	sadd.s32 s19, s18  }
0x9c: {  	s6 =	simm.s32 $0x0;
	s20 =	sshll.u32 s4, $0x1;
	s4 =	sadd.s32 s21, s2  }
0x9d: {  	[timem:s6], [sflag:s22] =	dma.local [hbm:s4], s20  }
0x9e: {  	_ =	swait.ge [sflag:s22], s20  }
0x9f: {  	s3 =	ssub.s32 $0x0, s20;
	[sflag:s22] =	ssyncset.done $0x0  }
0xa0: {  	[sflag:s22] =	ssyncadd.s32 s3;
	_ =	sdelay $0x1  }
0xa1: {  	s23 =	simm.s32 $0x1B8B  }
0xa2: {  	_ =	swait.ge [sflag:s23], $0x1  }
0xa3: {  	[sflag:s23] =	ssyncset.done $0x0  }
0xa4: {  	s25 =	simm.s32 $0x1B8E;
	s24 =	sld [smem:$0x3FFE];
	[sflag:s23] =	ssyncadd.s32 $0xFFFFFFFF  }
0xa5: {  	s26 =	simm.s32 $execute0_lowered;
	[smem:$0x3FD2] =	sst s25  }
0xa6: {  	s4 =	sshll.u32 s26, $0x1;
	_ =	strace $0x80000049;
	[dreg:$0x1] =	wrdreg $0xFFFFFFFF  }
0xa7: {  	s28 =	simm.s32 $_size_execute0_lowered;
	s2 =	sadd.s32 s2, s4;
	[dreg:$0x0] =	wrdreg $0x0  }
0xa8: {  	s4 =	sshll.u32 s28, $0x1;
	[dreg:$0x2] =	wrdreg s2  }
0xa9: {  	[dreg:$0x3] =	wrdreg s4  }
0xaa: {  	[dreg:$0x4] =	wrdreg $0xC0  }
0xab: {  	_ =	task [dreg:s6], $0x5FFFF  }
0xac: {  	[dreg:$0x1] =	wrdreg $0xFFFFFFFF  }
0xad: {  	[dreg:$0x0] =	wrdreg $0x60  }
0xae: {  	[dreg:$0x2] =	wrdreg s24  }
0xaf: {  	[dreg:$0x3] =	wrdreg $0x29000  }
0xb0: {  	[dreg:$0x4] =	wrdreg $0x9  }
0xb1: {  	_ =	task.clear_ibuf [dreg:s6], $0x5FFFF;
	_ =	strace $0x90000049  }
0xb2: {  	s29 =	simm.s32 $0x9;
	_ =	strace $0x8000004B  }
0xb3: {  	_ =	swait.ge [sflag:s29], $0x1  }
0xb4: {  	[sflag:s29] =	ssyncadd.s32 $0xFFFFFFFF  }
0xb5: {  	_ =	strace $0x9000004B  }
0xb6: {  	_ =	sfence  }
0xb7: {  	s30 =	sld [smem:$0x0];
	_ =	sdelay $0x2  }
0xb8: {  	s31 =	sshll.u32 s1, $0xD;
	s1 =	sshrl.u32 s1, $0x2  }
0xb9: {  	s3 =	sand.u32 $0x4000, s31;
	s1 =	sadd.s32 s1, s30  }
0xba: {  	s0 =	sor.u32 s3, s0;
	s1 =	sshll.u32 s1, $0x11  }
0xbb: {  	s0 =	sor.u32 s1, s0  }
0xbc: {  	s0 =	sadd.s32 $0x8F2B, s0  }
0xbd: {  	[sflag:s0] =	ssyncadd.remote.s32 $0x1  }
0xbe: {  	_ =	sfence.sel $0xFFFF  }
0xbf: {  	[dreg:$0x0] =	wrdreg $0xFFFFFFFF;
	(pc) =	sbr.abs _section_cstart, $3  }
0xc0: {  	[dreg:$0x1] =	wrdreg $0xFFFFFFFF  }
0xc1: {  	_ =	task.clear_ibuf [dreg:s6], $0x2FFFF;
	_ =	strace $0x9FFFFFFF  }
0xc2: {  	(tm) =	ssettm $0x7FFFFFFF  }
0xc3: {  	_ =	shalt  }
tec
execute0_lowered:
.L_overlay_start_1:
0x0: {  	(tag) =	ssettag $0x1  }
0x1: {  	s7 =	rddreg [dreg:$0x0]  }
0x2: {  	s2 =	rddreg [dreg:$0x1]  }
0x3: {  	s0 =	srdreg.scid;
	s1 =	rddreg [dreg:$0x2]  }
0x4: {  	s3 =	simm.s32 $0x0;
	s16 =	simm.s32 $0x80;
	s5 =	sand.u32 $0x1, s0  }
0x5: {  	s17 =	simm.s32 $0x50;
	s0 =	stileid.u32;
	s4 =	smul.u32 $0x27100, s5  }
0x6: {  	s18 =	simm.s32 $0x100;
	s19 =	simm.s32 $0x1;
	s6 =	smul.u32 $0x2710, s0  }
0x7: {  	s20 =	simm.s32 $0x0;
	[smem:$0x7FF] =	sst s3;
	s8 =	smul.u32 $0x13800, s0  }
0x8: {  	s11 =	sadd.s32 $0x69E00, s7;
	s15 =	sadd.s32 $0x138000, s2;
	s10 =	smul.u32 $0x4E000, s0  }
0x9: {  	_ =	strace $0x8000004A;
	s9 =	ssub.s32 $0x2, s5;
	s29 =	smul.u32 $0x138800, s5  }
0xa: {  	s30 =	sshll.u32 s0, $0x6;
	p0 =	sne.s32 s0, $0xF;
	s13 =	sshrl.u32 s9, $0x1  }
0xb: {  	s15 =	sshrl.u32 @!p0 s15, $0x3;
	s4 =	sadd.s32 s6, s4;
	s26 =	sshrl.u32 s8, $0x3  }
0xc: {  	s13 =	ssub.s32 s9, s13;
	s28 =	sshrl.u32 s10, $0x2;
	s8 =	sadd.s32 s8, s29  }
0xd: {  	s31 =	sshrl.u32 s29, $0x3;
	s4 =	sshrl.u32 s4, $0x3;
	s6 =	sadd.s32 s26, s7  }
0xe: {  	s14 =	sadd.s32 s28, s2;
	s8 =	sshrl.u32 s8, $0x3;
	s9 =	sadd.s32 s11, s31  }
0xf: {  	s10 =	smax.u32 s13, $0x1;
	s12 =	sadd.s32 s4, s7;
	s4 =	sadd.s32 $0x1BA00, s7  }
0x10: {  	s5 =	sadd.s32 $0x42C00, s6;
	s6 =	sor.u32 $0x1C02, s30;
	s7 =	sadd.s32 $0x69C00, s7  }
0x11: {  	s8 =	sadd.s32 s11, s8;
	s9 =	sadd.s32 $0x27000, s9;
	s13 =	sshrl.u32 s14, $0x3  }
0x12: {  	s14 =	simm.s32 $0x2;
	s11 =	sadd.s32 $0x7E00, s12;
	s12 =	sadd.s32 $0x11C00, s12  }
.LBB2_1:
0x13: {  	[spmem:s13], [sflag:s6] =	dma.local [hbm:s5], $0x2700  }
0x14: {  	_ =	swait.ge [sflag:s14], $0x2700  }
0x15: {  	[sflag:s14] =	ssyncset.done $0x0  }
0x16: {  	s21 =	simm.s32 @!p0 $0x2;
	[sflag:s14] =	ssyncadd.s32 $0xFFFFD900  }
0x17: {  	[spmem:s15], [sflag:s6] =	dma.local @!p0 [hbm:s7], $0x100  }
0x18: {  	_ =	swait.ge @!p0 [sflag:s21], $0x100  }
0x19: {  	[sflag:s21] =	ssyncset.done @!p0 $0x0  }
0x1a: {  	[sflag:s21] =	ssyncadd.s32 @!p0 $0xFFFFFF00  }
0x1b: {  	s30 =	sadd.s32 $0x0, s12;
	[bflag:$0x0] =	sbarrier.arrive $0xFFFF  }
0x1c: {  	[tilespmem:s3], [sflag:$0x2] =	stream.linear.gather [hbm4b:s30+s3], $0x50, $0x38;
	[tilespmem:$0x16180] =	vst v63  }
0x1d: {  	_ =	swait.ge [sflag:s14], $0x50  }
0x1e: {  	[sflag:s14] =	ssyncset.done $0x0  }
0x1f: {  	s31 =	sadd.s32 $0x0, s11;
	[sflag:s14] =	ssyncadd.s32 $0xFFFFFFB0  }
0x20: {  	[tilespmem:s16], [sflag:$0x2] =	stream.linear.gather [hbm4b:s31+s3], $0x50, $0x38;
	[tilespmem:$0x16180] =	vst v63  }
0x21: {  	_ =	swait.ge [sflag:s14], $0x50  }
0x22: {  	[sflag:s14] =	ssyncset.done $0x0  }
0x23: {  	[sflag:s14] =	ssyncadd.s32 $0xFFFFFFB0  }
0x24: {  	[tilespmem:s18], [sflag:$0x1] =	stream.indirect.gather [hbm4b:s4+s17], $0x80, s3, s17, $0xb8;
	[tilespmem:$0x16180] =	vst v63  }
0x25: {  	_ =	swait.ge [sflag:s19], $0x2800  }
0x26: {  	[sflag:s19] =	ssyncset.done $0x0  }
0x27: {  	[sflag:s19] =	ssyncadd.s32 $0xFFFFD800  }
0x28: {  	[spmem:s2] =	stream.indirect.scatter.add.f32 [tilespmem:s18], [sflag:$0x2], $0x80, s16, s17, $0xb8;
	[tilespmem:$0x16180] =	vst v63  }
0x29: {  	_ =	swait.ge [sflag:s14], $0x2800  }
0x2a: {  	s22 =	simm.s32 $0x14;
	s21 =	simm.s32 $0xA;
	[sflag:s14] =	ssyncset.done $0x0  }
.LBB2_2:
0x2b: {  	s23 =	sadd.s32 s21, s12  }
0x2c: {  	[sflag:s14] =	ssyncadd.s32 $0xFFFFD800;
	s24 =	smov.u32 s22;
	s25 =	sadd.s32 $0xA, s22  }
0x2d: {  	[tilespmem:s3], [sflag:$0x2] =	stream.linear.gather [hbm4b:s23+s3], $0x50, $0x38;
	[tilespmem:$0x16180] =	vst v63  }
0x2e: {  	p1 =	sne.s32 s22, $0x4D8;
	_ =	swait.ge [sflag:s14], $0x50  }
0x2f: {  	[sflag:s14] =	ssyncset.done $0x0  }
0x30: {  	s22 =	sadd.s32 s21, s11;
	s21 =	smov.u32 s24;
	[sflag:s14] =	ssyncadd.s32 $0xFFFFFFB0  }
0x31: {  	[tilespmem:s16], [sflag:$0x2] =	stream.linear.gather [hbm4b:s22+s3], $0x50, $0x38;
	[tilespmem:$0x16180] =	vst v63  }
0x32: {  	_ =	swait.ge [sflag:s14], $0x50  }
0x33: {  	[sflag:s14] =	ssyncset.done $0x0  }
0x34: {  	[sflag:s14] =	ssyncadd.s32 $0xFFFFFFB0  }
0x35: {  	[tilespmem:s18], [sflag:$0x1] =	stream.indirect.gather [hbm4b:s4+s17], $0x80, s3, s17, $0xb8;
	[tilespmem:$0x16180] =	vst v63  }
0x36: {  	_ =	swait.ge [sflag:s19], $0x2800  }
.Ltmp0:
0x37: {  	[sflag:s19] =	ssyncset.done $0x0;
	(pc) =	sbr.rel @p1 .LBB2_2-.Ltmp0, $4  }
0x38: {  	[sflag:s19] =	ssyncadd.s32 $0xFFFFD800  }
0x39: {  	[spmem:s2] =	stream.indirect.scatter.add.f32 [tilespmem:s18], [sflag:$0x2], $0x80, s16, s17, $0xb8;
	[tilespmem:$0x16180] =	vst v63  }
0x3a: {  	_ =	swait.ge [sflag:s14], $0x2800  }
0x3b: {  	s22 =	smov.u32 s25;
	[sflag:s14] =	ssyncset.done $0x0  }
0x3c: {  	s22 =	sadd.s32 s21, s12;
	[sflag:s14] =	ssyncadd.s32 $0xFFFFD800  }
0x3d: {  	[tilespmem:s3], [sflag:$0x2] =	stream.linear.gather [hbm4b:s22+s3], $0x50, $0x38;
	[tilespmem:$0x16180] =	vst v63  }
0x3e: {  	_ =	swait.ge [sflag:s14], $0x50  }
0x3f: {  	[sflag:s14] =	ssyncset.done $0x0  }
0x40: {  	s31 =	sadd.s32 s21, s11;
	[sflag:s14] =	ssyncadd.s32 $0xFFFFFFB0  }
0x41: {  	[tilespmem:s16], [sflag:$0x2] =	stream.linear.gather [hbm4b:s31+s3], $0x50, $0x38;
	[tilespmem:$0x16180] =	vst v63  }
0x42: {  	_ =	swait.ge [sflag:s14], $0x50  }
0x43: {  	[sflag:s14] =	ssyncset.done $0x0  }
0x44: {  	[sflag:s14] =	ssyncadd.s32 $0xFFFFFFB0  }
0x45: {  	[tilespmem:s18], [sflag:$0x1] =	stream.indirect.gather [hbm4b:s4+s17], $0x80, s3, s17, $0xb8;
	[tilespmem:$0x16180] =	vst v63  }
0x46: {  	_ =	swait.ge [sflag:s19], $0x2800  }
0x47: {  	[sflag:s19] =	ssyncset.done $0x0  }
0x48: {  	[sflag:s19] =	ssyncadd.s32 $0xFFFFD800  }
0x49: {  	[spmem:s2] =	stream.indirect.scatter.add.f32 [tilespmem:s18], [sflag:$0x2], $0x80, s16, s17, $0xb8;
	[tilespmem:$0x16180] =	vst v63  }
0x4a: {  	_ =	swait.ge [sflag:s14], $0x2800  }
0x4b: {  	[sflag:s14] =	ssyncset.done $0x0  }
0x4c: {  	[sflag:s14] =	ssyncadd.s32 $0xFFFFD800  }
0x4d: {  	[bflag:$0x0] =	sbarrier.arrive $0xFFFF  }
0x4e: {  	[hbm:s8], [sflag:s6] =	dma.local [spmem:s13], $0x2700  }
0x4f: {  	s20 =	sadd.s32 $0x1, s20;
	_ =	swait.ge [sflag:s14], $0x2700  }
0x50: {  	p1 =	sne.s32 s20, s10;
	[sflag:s14] =	ssyncset.done $0x0  }
.Ltmp1:
0x51: {  	s21 =	simm.s32 @!p0 $0x2;
	[sflag:s14] =	ssyncadd.s32 $0xFFFFD900;
	(pc) =	sbr.rel @p1 .LBB2_1-.Ltmp1, $4  }
0x52: {  	[hbm:s9], [sflag:s6] =	dma.local @!p0 [spmem:s15], $0x100  }
0x53: {  	_ =	swait.ge @!p0 [sflag:s21], $0x100  }
0x54: {  	[sflag:s21] =	ssyncset.done @!p0 $0x0  }
0x55: {  	[sflag:s21] =	ssyncadd.s32 @!p0 $0xFFFFFF00  }
0x56: {  	_ =	sfence.sel $0x180000  }
0x57: {  	[bflag:$0x0] =	sbarrier.arrive $0xFFFF  }
0x58: {  	p0 =	sne.s32 s0, $0x0;
	_ =	strace $0x9000004A  }
0x59: {  	s0 =	sadd.s32 @!p0 $0x100000, s1;
	[bflag:$0x2] =	sbarrier.arrive $0xFFFF  }
0x5a: {  	[sflag:s0] =	ssyncadd.tile.s32 @!p0 $0x1;
	_ =	shalt  }
.Lfunc_end2:
_tile_overlayer_lowered:
.L_overlay_start_2:
0x5b: {  	(tag) =	ssettag $0x2  }
0x5c: {  	s0 =	rddreg [dreg:$0x0];
	s2 =	stileid.u32  }
0x5d: {  	s1 =	rddreg [dreg:$0x1];
	p0 =	sne.s32 s2, $0x0  }
0x5e: {  	s3 =	rddreg [dreg:$0x2];
	[bflag:$0x3] =	sbarrier.arrive $0xFFFF;
	s2 =	simm.s32 @!p0 $0x1C02  }
0x5f: {  	[timem:s3], [sflag:s2] =	dma.local @!p0 [hbm:s0], s1  }
0x60: {  	s0 =	simm.s32 @!p0 $0x2  }
0x61: {  	_ =	swait.ge @!p0 [sflag:s0], s1  }
0x62: {  	s1 =	ssub.s32 @!p0 $0x0, s1;
	[sflag:s0] =	ssyncset.done @!p0 $0x0  }
0x63: {  	[sflag:s0] =	ssyncadd.s32 @!p0 s1  }
0x64: {  	[bflag:$0x3] =	sbarrier.arrive $0xFFFF  }
0x65: {  	_ =	shalt  }

// kernel: kernel.17.cloned.1.call-start
scs
__scs_entry_jumppad:
0x0: {  	(pc) =	sbr.rel $0x88, $3  }
0x1: {  	(tag) =	ssettag $0x0;
	lr =	simm.s32 $0x1  }
0x2: {  	[smem:$0x3F74] =	sst lr;
	_ =	strace $0xD0000000  }
0x3: {  	_ = 	snop  }
0x4: {  	_ = 	snop  }
0x5: {  	_ = 	snop  }
0x6: {  	_ = 	snop  }
0x7: {  	_ = 	snop  }
__scs_overlays_trampoline_lowered:
0x8: {  	[smem:$0x3F83] =	sst s0  }
0x9: {  	[smem:$0x3F84] =	sst s1  }
0xa: {  	[smem:$0x3F85] =	sst s2  }
0xb: {  	[smem:$0x3F86] =	sst s3  }
0xc: {  	[smem:$0x3F87] =	sst s4  }
0xd: {  	[smem:$0x3F88] =	sst s5  }
0xe: {  	[smem:$0x3F89] =	sst s6  }
0xf: {  	[smem:$0x3F8A] =	sst s7  }
0x10: {  	[smem:$0x3F8B] =	sst s8  }
0x11: {  	[smem:$0x3F8C] =	sst s9;
	s0 =	simm.s32 @!p0 $0x0  }
0x12: {  	s1 =	sld [smem:$0x3F72];
	s0 =	simm.s32 @p0 $0x1  }
0x13: {  	[smem:$0x3F8D] =	sst s0;
	s0 =	simm.s32 @!p1 $0x0  }
0x14: {  	s2 =	sld [smem:$0x3F71];
	s0 =	simm.s32 @p1 $0x1  }
0x15: {  	[smem:$0x3F8E] =	sst s0;
	s0 =	simm.s32 @!p2 $0x0  }
0x16: {  	s3 =	sld [smem:$0x3FDB];
	s0 =	simm.s32 @p2 $0x1  }
0x17: {  	s4 =	simm.s32 $0x1BF5;
	[smem:$0x3F90] =	sst s0  }
0x18: {  	s0 =	sld [smem:$0x3F73];
	_ =	swait.ge [sflag:s4], $0x0  }
0x19: {  	s7 =	sld [smem:$0x3F74]  }
0x1a: {  	s8 =	sadd.s32 $0xFFFFE003, lr  }
0x1b: {  	s9 =	sadd.s32 $0xFFFFFEF7, lr;
	s5 =	simm.s32 $0xFFFFFFFF;
	p2 =	slt.u32 s8, $0xFFFFF086  }
0x1c: {  	p1 =	slt.u32 s9, $0xF7A;
	s5 =	simm.s32 @!p2 $0x0  }
0x1d: {  	s5 =	simm.s32 @p1 $0x1;
	p0 =	seq.s32 s7, s2  }
0x1e: {  	s7 =	smul.u32 @!p0 $0xF7A, s2;
	p2 =	seq.s32 @!p0 s5, $0x0  }
0x1f: {  	s9 =	smul.u32 $0xF7A, s1;
	s8 =	simm.s32 @!p0 $0x1BF5;
	p2 =	por !p2, p0  }
0x20: {  	[sflag:s8] =	ssyncset.s32 @!p0 $0xFFFFF086;
	s6 =	sadd.s32 @!p0 s3, s7;
	s7 =	simm.s32 @!p0 $0x108  }
0x21: {  	s3 =	sadd.s32 s3, s9;
	s6 =	sadd.s32 @!p0 $0x88, s6;
	s7 =	simm.s32 @p2 $0x1082  }
0x22: {  	[simem:s7], [sflag:s8] =	dma.local @!p0 [hbm:s6], $0xF7A  }
0x23: {  	s9 =	sor.u32 $0xD0000000, s2;
	s6 =	simm.s32 $0x108;
	_ =	swait.ge @!p0 [sflag:s8], $0x0  }
0x24: {  	s3 =	sadd.s32 $0x88, s3;
	s6 =	simm.s32 @!p1 $0x1082;
	[sflag:s4] =	ssyncset.s32 $0xFFFFF086  }
0x25: {  	[simem:s6], [sflag:s4] =	dma.local [hbm:s3], $0xF7A  }
0x26: {  	[smem:$0x3F74] =	sst s1;
	(tag) =	ssettag s2;
	_ =	strace s9  }
0x27: {  	s1 =	sld [smem:$0x3F84]  }
0x28: {  	s2 =	sld [smem:$0x3F85]  }
0x29: {  	s4 =	sld [smem:$0x3F87]  }
0x2a: {  	p0 =	seq.s32 s5, $0x0;
	s5 =	sld [smem:$0x3F88]  }
0x2b: {  	s6 =	sld [smem:$0x3F89]  }
0x2c: {  	s7 =	sld [smem:$0x3F8A]  }
0x2d: {  	s3 =	simm.s32 $0x108;
	s8 =	sld [smem:$0x3F8B]  }
0x2e: {  	s3 =	simm.s32 @!p0 $0x1082;
	s9 =	sld [smem:$0x3F8C]  }
0x2f: {  	lr =	sadd.s32 s0, s3;
	s0 =	sld [smem:$0x3F83]  }
0x30: {  	s3 =	sld [smem:$0x3F86]  }
0x31: {  	[smem:$0x3F8F] =	sst s10  }
0x32: {  	s10 =	sld [smem:$0x3F8D];
	_ =	sdelay $0x3  }
0x33: {  	p0 =	seq.s32 s10, $0x1;
	s10 =	sld [smem:$0x3F8F];
	_ =	sdelay $0x3  }
0x34: {  	[smem:$0x3F8F] =	sst s10  }
0x35: {  	s10 =	sld [smem:$0x3F8E];
	_ =	sdelay $0x3  }
0x36: {  	p1 =	seq.s32 s10, $0x1;
	s10 =	sld [smem:$0x3F8F];
	_ =	sdelay $0x3  }
0x37: {  	[smem:$0x3F8F] =	sst s10  }
0x38: {  	s10 =	sld [smem:$0x3F90]  }
0x39: {  	_ = 	snop;
	(pc) =	sbr.ind lr, $3  }
0x3a: {  	_ = 	snop  }
0x3b: {  	_ = 	snop  }
0x3c: {  	p2 =	seq.s32 s10, $0x1;
	s10 =	sld [smem:$0x3F8F]  }
0x3d: {  	_ =	shalt  }
0x3e: {  	_ =	shalt  }
0x3f: {  	_ =	shalt  }
0x40: {  	_ =	shalt  }
0x41: {  	_ =	shalt  }
0x42: {  	_ =	shalt  }
0x43: {  	_ =	shalt  }
0x44: {  	_ =	shalt  }
0x45: {  	_ =	shalt  }
0x46: {  	_ =	shalt  }
0x47: {  	_ =	shalt  }
0x48: {  	_ =	shalt  }
0x49: {  	_ =	shalt  }
0x4a: {  	_ =	shalt  }
0x4b: {  	_ =	shalt  }
0x4c: {  	_ =	shalt  }
0x4d: {  	_ =	shalt  }
0x4e: {  	_ =	shalt  }
0x4f: {  	_ =	shalt  }
0x50: {  	_ =	shalt  }
0x51: {  	_ =	shalt  }
0x52: {  	_ =	shalt  }
0x53: {  	_ =	shalt  }
0x54: {  	_ =	shalt  }
0x55: {  	_ =	shalt  }
0x56: {  	_ =	shalt  }
0x57: {  	_ =	shalt  }
0x58: {  	_ =	shalt  }
0x59: {  	_ =	shalt  }
0x5a: {  	_ =	shalt  }
0x5b: {  	_ =	shalt  }
0x5c: {  	_ =	shalt  }
0x5d: {  	_ =	shalt  }
0x5e: {  	_ =	shalt  }
0x5f: {  	_ =	shalt  }
0x60: {  	_ =	shalt  }
0x61: {  	_ =	shalt  }
0x62: {  	_ =	shalt  }
0x63: {  	_ =	shalt  }
0x64: {  	_ =	shalt  }
0x65: {  	_ =	shalt  }
0x66: {  	_ =	shalt  }
0x67: {  	_ =	shalt  }
0x68: {  	_ =	shalt  }
0x69: {  	_ =	shalt  }
0x6a: {  	_ =	shalt  }
0x6b: {  	_ =	shalt  }
0x6c: {  	_ =	shalt  }
0x6d: {  	_ =	shalt  }
0x6e: {  	_ =	shalt  }
0x6f: {  	_ =	shalt  }
0x70: {  	_ =	shalt  }
0x71: {  	_ =	shalt  }
0x72: {  	_ =	shalt  }
0x73: {  	_ =	shalt  }
0x74: {  	_ =	shalt  }
0x75: {  	_ =	shalt  }
0x76: {  	_ =	shalt  }
0x77: {  	_ =	shalt  }
0x78: {  	_ =	shalt  }
0x79: {  	_ =	shalt  }
0x7a: {  	_ =	shalt  }
0x7b: {  	_ =	shalt  }
0x7c: {  	_ =	shalt  }
0x7d: {  	_ =	shalt  }
0x7e: {  	_ =	shalt  }
0x7f: {  	_ =	shalt  }
0x80: {  	_ =	shalt  }
0x81: {  	_ =	shalt  }
0x82: {  	_ =	shalt  }
0x83: {  	_ =	shalt  }
0x84: {  	_ =	shalt  }
0x85: {  	_ =	shalt  }
0x86: {  	_ =	shalt  }
0x87: {  	_ =	shalt  }
.Lfunc_end0:
.L_simem_size_0:
called_computation.2_lowered:
.L_overlay_start_0:
0x88: {  	s2 =	sld [smem:$0x3FD9]  }
0x89: {  	s3 =	sld [smem:$0x3FFE];
	_ =	sdelay $0x1  }
0x8a: {  	s1 =	srdreg.scid  }
0x8b: {  	s0 =	sand.u32 $0x1, s1  }
0x8c: {  	s16 =	sshll.u32 s0, $0xA;
	s2 =	sadd.s32 s3, s2  }
0x8d: {  	s2 =	sadd.s32 s2, s16  }
0x8e: {  	[smem:$0x3F9B] =	sst s2  }
0x8f: {  	_ = 	snop  }
0x90: {  	(tm) =	ssettm $0x1  }
0x91: {  	s17 =	sld [smem:$0x3FFB];
	_ =	sdelay $0x3  }
0x92: {  	_ =	strace s17  }
0x93: {  	s2 =	sld [smem:$0x3FFC];
	_ =	sdelay $0x3  }
0x94: {  	_ =	strace s2  }
0x95: {  	s2 =	sld [smem:$0x3FFD];
	_ =	sdelay $0x3  }
0x96: {  	_ =	strace s2  }
0x97: {  	_ =	strace $0x8FFFFFFF  }
0x98: {  	s18 =	sld [smem:$0x3FDB];
	_ =	sdelay $0x1  }
0x99: {  	s19 =	simm.s32 $_scs_section_size  }
0x9a: {  	s4 =	simm.s32 $_size__tile_overlayer_lowered;
	s5 =	simm.s32 $_tile_overlayer_lowered  }
0x9b: {  	s22 =	simm.s32 $0x1BFF;
	s21 =	sshll.u32 s5, $0x1;
	s2 =	sadd.s32 s19, s18  }
0x9c: {  	s6 =	simm.s32 $0x0;
	s20 =	sshll.u32 s4, $0x1;
	s4 =	sadd.s32 s21, s2  }
0x9d: {  	[timem:s6], [sflag:s22] =	dma.local [hbm:s4], s20  }
0x9e: {  	_ =	swait.ge [sflag:s22], s20  }
0x9f: {  	s3 =	ssub.s32 $0x0, s20;
	[sflag:s22] =	ssyncset.done $0x0  }
0xa0: {  	[sflag:s22] =	ssyncadd.s32 s3;
	_ =	sdelay $0x1  }
0xa1: {  	s23 =	simm.s32 $0x1B8B  }
0xa2: {  	_ =	swait.ge [sflag:s23], $0x1  }
0xa3: {  	[sflag:s23] =	ssyncset.done $0x0  }
0xa4: {  	s25 =	simm.s32 $0x1B8E;
	s24 =	sld [smem:$0x3FFE];
	[sflag:s23] =	ssyncadd.s32 $0xFFFFFFFF  }
0xa5: {  	s26 =	simm.s32 $execute0_lowered;
	[smem:$0x3FD2] =	sst s25  }
0xa6: {  	s4 =	sshll.u32 s26, $0x1;
	_ =	strace $0x8000004C;
	[dreg:$0x1] =	wrdreg $0xFFFFFFFF  }
0xa7: {  	s28 =	simm.s32 $_size_execute0_lowered;
	s2 =	sadd.s32 s2, s4;
	[dreg:$0x0] =	wrdreg $0x0  }
0xa8: {  	s4 =	sshll.u32 s28, $0x1;
	[dreg:$0x2] =	wrdreg s2  }
0xa9: {  	[dreg:$0x3] =	wrdreg s4  }
0xaa: {  	[dreg:$0x4] =	wrdreg $0xC0  }
0xab: {  	_ =	task [dreg:s6], $0x5FFFF  }
0xac: {  	[dreg:$0x1] =	wrdreg $0xFFFFFFFF  }
0xad: {  	[dreg:$0x0] =	wrdreg $0x60  }
0xae: {  	[dreg:$0x2] =	wrdreg s24  }
0xaf: {  	[dreg:$0x3] =	wrdreg $0x29000  }
0xb0: {  	[dreg:$0x4] =	wrdreg $0x9  }
0xb1: {  	_ =	task.clear_ibuf [dreg:s6], $0x5FFFF;
	_ =	strace $0x9000004C  }
0xb2: {  	s29 =	simm.s32 $0x9;
	_ =	strace $0x8000004E  }
0xb3: {  	_ =	swait.ge [sflag:s29], $0x1  }
0xb4: {  	[sflag:s29] =	ssyncadd.s32 $0xFFFFFFFF  }
0xb5: {  	_ =	strace $0x9000004E  }
0xb6: {  	_ =	sfence  }
0xb7: {  	s30 =	sld [smem:$0x0];
	_ =	sdelay $0x2  }
0xb8: {  	s31 =	sshll.u32 s1, $0xD;
	s1 =	sshrl.u32 s1, $0x2  }
0xb9: {  	s3 =	sand.u32 $0x4000, s31;
	s1 =	sadd.s32 s1, s30  }
0xba: {  	s0 =	sor.u32 s3, s0;
	s1 =	sshll.u32 s1, $0x11  }
0xbb: {  	s0 =	sor.u32 s1, s0  }
0xbc: {  	s0 =	sadd.s32 $0x8F2B, s0  }
0xbd: {  	[sflag:s0] =	ssyncadd.remote.s32 $0x1  }
0xbe: {  	_ =	sfence.sel $0xFFFF  }
0xbf: {  	[dreg:$0x0] =	wrdreg $0xFFFFFFFF;
	(pc) =	sbr.abs _section_cstart, $3  }
0xc0: {  	[dreg:$0x1] =	wrdreg $0xFFFFFFFF  }
0xc1: {  	_ =	task.clear_ibuf [dreg:s6], $0x2FFFF;
	_ =	strace $0x9FFFFFFF  }
0xc2: {  	(tm) =	ssettm $0x7FFFFFFF  }
0xc3: {  	_ =	shalt  }
tec
execute0_lowered:
.L_overlay_start_1:
0x0: {  	(tag) =	ssettag $0x1  }
0x1: {  	s7 =	rddreg [dreg:$0x0]  }
0x2: {  	s2 =	rddreg [dreg:$0x1]  }
0x3: {  	s0 =	srdreg.scid;
	s1 =	rddreg [dreg:$0x2]  }
0x4: {  	s3 =	simm.s32 $0x0;
	s16 =	simm.s32 $0x80;
	s5 =	sand.u32 $0x1, s0  }
0x5: {  	s17 =	simm.s32 $0x50;
	s0 =	stileid.u32;
	s4 =	smul.u32 $0x27100, s5  }
0x6: {  	s18 =	simm.s32 $0x100;
	s19 =	simm.s32 $0x1;
	s6 =	smul.u32 $0x2710, s0  }
0x7: {  	s20 =	simm.s32 $0x0;
	[smem:$0x7FF] =	sst s3;
	s8 =	smul.u32 $0x13800, s0  }
0x8: {  	s11 =	sadd.s32 $0x69E00, s7;
	s15 =	sadd.s32 $0x138000, s2;
	s10 =	smul.u32 $0x4E000, s0  }
0x9: {  	_ =	strace $0x8000004D;
	s9 =	ssub.s32 $0x2, s5;
	s29 =	smul.u32 $0x138800, s5  }
0xa: {  	s30 =	sshll.u32 s0, $0x6;
	p0 =	sne.s32 s0, $0xF;
	s13 =	sshrl.u32 s9, $0x1  }
0xb: {  	s15 =	sshrl.u32 @!p0 s15, $0x3;
	s4 =	sadd.s32 s6, s4;
	s26 =	sshrl.u32 s8, $0x3  }
0xc: {  	s13 =	ssub.s32 s9, s13;
	s28 =	sshrl.u32 s10, $0x2;
	s8 =	sadd.s32 s8, s29  }
0xd: {  	s31 =	sshrl.u32 s29, $0x3;
	s4 =	sshrl.u32 s4, $0x3;
	s6 =	sadd.s32 s26, s7  }
0xe: {  	s14 =	sadd.s32 s28, s2;
	s8 =	sshrl.u32 s8, $0x3;
	s9 =	sadd.s32 s11, s31  }
0xf: {  	s10 =	smax.u32 s13, $0x1;
	s12 =	sadd.s32 s4, s7;
	s4 =	sadd.s32 $0x1BA00, s7  }
0x10: {  	s5 =	sadd.s32 $0x42C00, s6;
	s6 =	sor.u32 $0x1C02, s30;
	s7 =	sadd.s32 $0x69C00, s7  }
0x11: {  	s8 =	sadd.s32 s11, s8;
	s9 =	sadd.s32 $0x27000, s9;
	s13 =	sshrl.u32 s14, $0x3  }
0x12: {  	s14 =	simm.s32 $0x2;
	s11 =	sadd.s32 $0x7E00, s12;
	s12 =	sadd.s32 $0x11C00, s12  }
.LBB2_1:
0x13: {  	[spmem:s13], [sflag:s6] =	dma.local [hbm:s5], $0x2700  }
0x14: {  	_ =	swait.ge [sflag:s14], $0x2700  }
0x15: {  	[sflag:s14] =	ssyncset.done $0x0  }
0x16: {  	s21 =	simm.s32 @!p0 $0x2;
	[sflag:s14] =	ssyncadd.s32 $0xFFFFD900  }
0x17: {  	[spmem:s15], [sflag:s6] =	dma.local @!p0 [hbm:s7], $0x100  }
0x18: {  	_ =	swait.ge @!p0 [sflag:s21], $0x100  }
0x19: {  	[sflag:s21] =	ssyncset.done @!p0 $0x0  }
0x1a: {  	[sflag:s21] =	ssyncadd.s32 @!p0 $0xFFFFFF00  }
0x1b: {  	s30 =	sadd.s32 $0x0, s12;
	[bflag:$0x0] =	sbarrier.arrive $0xFFFF  }
0x1c: {  	[tilespmem:s3], [sflag:$0x2] =	stream.linear.gather [hbm4b:s30+s3], $0x50, $0x38;
	[tilespmem:$0x16180] =	vst v63  }
0x1d: {  	_ =	swait.ge [sflag:s14], $0x50  }
0x1e: {  	[sflag:s14] =	ssyncset.done $0x0  }
0x1f: {  	s31 =	sadd.s32 $0x0, s11;
	[sflag:s14] =	ssyncadd.s32 $0xFFFFFFB0  }
0x20: {  	[tilespmem:s16], [sflag:$0x2] =	stream.linear.gather [hbm4b:s31+s3], $0x50, $0x38;
	[tilespmem:$0x16180] =	vst v63  }
0x21: {  	_ =	swait.ge [sflag:s14], $0x50  }
0x22: {  	[sflag:s14] =	ssyncset.done $0x0  }
0x23: {  	[sflag:s14] =	ssyncadd.s32 $0xFFFFFFB0  }
0x24: {  	[tilespmem:s18], [sflag:$0x1] =	stream.indirect.gather [hbm4b:s4+s17], $0x80, s3, s17, $0xb8;
	[tilespmem:$0x16180] =	vst v63  }
0x25: {  	_ =	swait.ge [sflag:s19], $0x2800  }
0x26: {  	[sflag:s19] =	ssyncset.done $0x0  }
0x27: {  	[sflag:s19] =	ssyncadd.s32 $0xFFFFD800  }
0x28: {  	[spmem:s2] =	stream.indirect.scatter.add.f32 [tilespmem:s18], [sflag:$0x2], $0x80, s16, s17, $0xb8;
	[tilespmem:$0x16180] =	vst v63  }
0x29: {  	_ =	swait.ge [sflag:s14], $0x2800  }
0x2a: {  	s22 =	simm.s32 $0x14;
	s21 =	simm.s32 $0xA;
	[sflag:s14] =	ssyncset.done $0x0  }
.LBB2_2:
0x2b: {  	s23 =	sadd.s32 s21, s12  }
0x2c: {  	[sflag:s14] =	ssyncadd.s32 $0xFFFFD800;
	s24 =	smov.u32 s22;
	s25 =	sadd.s32 $0xA, s22  }
0x2d: {  	[tilespmem:s3], [sflag:$0x2] =	stream.linear.gather [hbm4b:s23+s3], $0x50, $0x38;
	[tilespmem:$0x16180] =	vst v63  }
0x2e: {  	p1 =	sne.s32 s22, $0x4D8;
	_ =	swait.ge [sflag:s14], $0x50  }
0x2f: {  	[sflag:s14] =	ssyncset.done $0x0  }
0x30: {  	s22 =	sadd.s32 s21, s11;
	s21 =	smov.u32 s24;
	[sflag:s14] =	ssyncadd.s32 $0xFFFFFFB0  }
0x31: {  	[tilespmem:s16], [sflag:$0x2] =	stream.linear.gather [hbm4b:s22+s3], $0x50, $0x38;
	[tilespmem:$0x16180] =	vst v63  }
0x32: {  	_ =	swait.ge [sflag:s14], $0x50  }
0x33: {  	[sflag:s14] =	ssyncset.done $0x0  }
0x34: {  	[sflag:s14] =	ssyncadd.s32 $0xFFFFFFB0  }
0x35: {  	[tilespmem:s18], [sflag:$0x1] =	stream.indirect.gather [hbm4b:s4+s17], $0x80, s3, s17, $0xb8;
	[tilespmem:$0x16180] =	vst v63  }
0x36: {  	_ =	swait.ge [sflag:s19], $0x2800  }
.Ltmp0:
0x37: {  	[sflag:s19] =	ssyncset.done $0x0;
	(pc) =	sbr.rel @p1 .LBB2_2-.Ltmp0, $4  }
0x38: {  	[sflag:s19] =	ssyncadd.s32 $0xFFFFD800  }
0x39: {  	[spmem:s2] =	stream.indirect.scatter.add.f32 [tilespmem:s18], [sflag:$0x2], $0x80, s16, s17, $0xb8;
	[tilespmem:$0x16180] =	vst v63  }
0x3a: {  	_ =	swait.ge [sflag:s14], $0x2800  }
0x3b: {  	s22 =	smov.u32 s25;
	[sflag:s14] =	ssyncset.done $0x0  }
0x3c: {  	s22 =	sadd.s32 s21, s12;
	[sflag:s14] =	ssyncadd.s32 $0xFFFFD800  }
0x3d: {  	[tilespmem:s3], [sflag:$0x2] =	stream.linear.gather [hbm4b:s22+s3], $0x50, $0x38;
	[tilespmem:$0x16180] =	vst v63  }
0x3e: {  	_ =	swait.ge [sflag:s14], $0x50  }
0x3f: {  	[sflag:s14] =	ssyncset.done $0x0  }
0x40: {  	s31 =	sadd.s32 s21, s11;
	[sflag:s14] =	ssyncadd.s32 $0xFFFFFFB0  }
0x41: {  	[tilespmem:s16], [sflag:$0x2] =	stream.linear.gather [hbm4b:s31+s3], $0x50, $0x38;
	[tilespmem:$0x16180] =	vst v63  }
0x42: {  	_ =	swait.ge [sflag:s14], $0x50  }
0x43: {  	[sflag:s14] =	ssyncset.done $0x0  }
0x44: {  	[sflag:s14] =	ssyncadd.s32 $0xFFFFFFB0  }
0x45: {  	[tilespmem:s18], [sflag:$0x1] =	stream.indirect.gather [hbm4b:s4+s17], $0x80, s3, s17, $0xb8;
	[tilespmem:$0x16180] =	vst v63  }
0x46: {  	_ =	swait.ge [sflag:s19], $0x2800  }
0x47: {  	[sflag:s19] =	ssyncset.done $0x0  }
0x48: {  	[sflag:s19] =	ssyncadd.s32 $0xFFFFD800  }
0x49: {  	[spmem:s2] =	stream.indirect.scatter.add.f32 [tilespmem:s18], [sflag:$0x2], $0x80, s16, s17, $0xb8;
	[tilespmem:$0x16180] =	vst v63  }
0x4a: {  	_ =	swait.ge [sflag:s14], $0x2800  }
0x4b: {  	[sflag:s14] =	ssyncset.done $0x0  }
0x4c: {  	[sflag:s14] =	ssyncadd.s32 $0xFFFFD800  }
0x4d: {  	[bflag:$0x0] =	sbarrier.arrive $0xFFFF  }
0x4e: {  	[hbm:s8], [sflag:s6] =	dma.local [spmem:s13], $0x2700  }
0x4f: {  	s20 =	sadd.s32 $0x1, s20;
	_ =	swait.ge [sflag:s14], $0x2700  }
0x50: {  	p1 =	sne.s32 s20, s10;
	[sflag:s14] =	ssyncset.done $0x0  }
.Ltmp1:
0x51: {  	s21 =	simm.s32 @!p0 $0x2;
	[sflag:s14] =	ssyncadd.s32 $0xFFFFD900;
	(pc) =	sbr.rel @p1 .LBB2_1-.Ltmp1, $4  }
0x52: {  	[hbm:s9], [sflag:s6] =	dma.local @!p0 [spmem:s15], $0x100  }
0x53: {  	_ =	swait.ge @!p0 [sflag:s21], $0x100  }
0x54: {  	[sflag:s21] =	ssyncset.done @!p0 $0x0  }
0x55: {  	[sflag:s21] =	ssyncadd.s32 @!p0 $0xFFFFFF00  }
0x56: {  	_ =	sfence.sel $0x180000  }
0x57: {  	[bflag:$0x0] =	sbarrier.arrive $0xFFFF  }
0x58: {  	p0 =	sne.s32 s0, $0x0;
	_ =	strace $0x9000004D  }
0x59: {  	s0 =	sadd.s32 @!p0 $0x100000, s1;
	[bflag:$0x2] =	sbarrier.arrive $0xFFFF  }
0x5a: {  	[sflag:s0] =	ssyncadd.tile.s32 @!p0 $0x1;
	_ =	shalt  }
.Lfunc_end2:
_tile_overlayer_lowered:
.L_overlay_start_2:
0x5b: {  	(tag) =	ssettag $0x2  }
0x5c: {  	s0 =	rddreg [dreg:$0x0];
	s2 =	stileid.u32  }
0x5d: {  	s1 =	rddreg [dreg:$0x1];
	p0 =	sne.s32 s2, $0x0  }
0x5e: {  	s3 =	rddreg [dreg:$0x2];
	[bflag:$0x3] =	sbarrier.arrive $0xFFFF;
	s2 =	simm.s32 @!p0 $0x1C02  }
0x5f: {  	[timem:s3], [sflag:s2] =	dma.local @!p0 [hbm:s0], s1  }
0x60: {  	s0 =	simm.s32 @!p0 $0x2  }
0x61: {  	_ =	swait.ge @!p0 [sflag:s0], s1  }
0x62: {  	s1 =	ssub.s32 @!p0 $0x0, s1;
	[sflag:s0] =	ssyncset.done @!p0 $0x0  }
0x63: {  	[sflag:s0] =	ssyncadd.s32 @!p0 s1  }
0x64: {  	[bflag:$0x3] =	sbarrier.arrive $0xFFFF  }
0x65: {  	_ =	shalt  }

</sc_bundles>
